<compile_context>
chip_gen: v7x
topology: tpu7x:2x2x1
jax: 0.10.2.dev20260603
libtpu: 0.0.44.dev20260713+nightly
codegen_flags: <defaults>
</compile_context>

<pallas_src>
import functools

import jax
import jax.numpy as jnp
from jax import lax
from jax.experimental import pallas as pl
from jax.experimental.pallas import tpu as pltpu
from jax.experimental.pallas import tpu_sc as plsc

N = 10000
D = 128
G = 64

NC, NS = 2, 16
CH = 128
SUP = 4
TSUP = 640
K0, K1 = 38, 2
EP = TSUP * SUP * CH
NZC = 78
BN = 2000
NB = N // BN


def _sc_body(x_hbm, eidx_hbm, zero_hbm, out_hbm,
             acc_sh, idxv, rows_a, rows_b, rows_c, sem_a, sem_b, sem_c):
    rows = (rows_a, rows_b, rows_c)
    sems = (sem_a, sem_b, sem_c)
    cid = lax.axis_index("c")
    sid = lax.axis_index("s")

    with jax.named_scope("zero_phase"):
        pltpu.sync_copy(zero_hbm, rows_a)
        for k in range(5):
            cno = sid * 5 + k

            @pl.when(cno < NZC)
            def _():
                pltpu.sync_copy(rows_a, acc_sh.at[pl.ds(cno * CH, CH)])

        @pl.when(sid == NS - 1)
        def _():
            pltpu.sync_copy(rows_a.at[pl.ds(0, 16)],
                            acc_sh.at[pl.ds(NZC * CH, 16)])

        plsc.subcore_barrier()

    nsup = jnp.where(cid == 0, K0, K1)
    base = jnp.where(cid == 0, sid * K0, NS * K0 + sid * K1)

    def _wait(buf, sem):
        pltpu.make_async_copy(zero_hbm, buf, sem).wait()

    with jax.named_scope("edge_phase"):
        @pl.loop(0, nsup)
        def _(s):
            rb = (base + s) * (2 * SUP)
            pltpu.sync_copy(eidx_hbm.at[pl.ds(rb, 2 * SUP)], idxv)
            pltpu.async_copy(x_hbm.at[idxv.at[0]], rows[0], sems[0])
            pltpu.async_copy(x_hbm.at[idxv.at[1]], rows[1], sems[1])
            for c in range(SUP):
                b = c % 3
                _wait(rows[b], sems[b])
                if c + 2 < SUP:
                    b2 = (c + 2) % 3
                    pltpu.async_copy(x_hbm.at[idxv.at[c + 2]], rows[b2], sems[b2])
                pltpu.sync_copy(rows[b], acc_sh.at[idxv.at[SUP + c]], add=True)

        plsc.subcore_barrier()

    with jax.named_scope("readout_phase"):
        for k in range(5):
            cno = sid * 5 + k

            @pl.when(cno < NZC)
            def _():
                pltpu.sync_copy(acc_sh.at[pl.ds(cno * CH, CH)], rows_a)
                pltpu.sync_copy(rows_a, out_hbm.at[cid].at[pl.ds(cno * CH, CH)])

        @pl.when(sid == NS - 1)
        def _():
            pltpu.sync_copy(acc_sh.at[pl.ds(NZC * CH, 16)],
                            rows_b.at[pl.ds(0, 16)])
            pltpu.sync_copy(rows_b.at[pl.ds(0, 16)],
                            out_hbm.at[cid].at[pl.ds(NZC * CH, 16)])


_sc_aggregate = functools.partial(
    pl.kernel,
    out_type=jax.ShapeDtypeStruct((NC, N, D), jnp.float32),
    mesh=plsc.VectorSubcoreMesh(core_axis_name="c", subcore_axis_name="s"),
    scratch_types=[
        pltpu.VMEM_SHARED((N, D), jnp.float32),
        pltpu.VMEM((2 * SUP, CH), jnp.int32),
        pltpu.VMEM((CH, D), jnp.float32),
        pltpu.VMEM((CH, D), jnp.float32),
        pltpu.VMEM((CH, D), jnp.float32),
        pltpu.SemaphoreType.DMA,
        pltpu.SemaphoreType.DMA,
        pltpu.SemaphoreType.DMA,
    ],
)(_sc_body)


def _tc_body(aggp_ref, x_ref, bid_ref, wn_ref, ws_ref, b_ref, out_ref):
    i = pl.program_id(0)

    @pl.when(i == 0)
    def _():
        out_ref[...] = jnp.zeros_like(out_ref)

    agg = aggp_ref[0] + aggp_ref[1]
    h = jnp.dot(agg, wn_ref[...], preferred_element_type=jnp.float32)
    h += jnp.dot(x_ref[...], ws_ref[...], preferred_element_type=jnp.float32)
    h = jnp.maximum(h + b_ref[...], 0.0)
    bid = bid_ref[0, 0, :]
    gids = lax.broadcasted_iota(jnp.int32, (G, BN), 0)
    onehot = (gids == bid[None, :]).astype(jnp.float32)
    out_ref[...] += jnp.dot(onehot, h, preferred_element_type=jnp.float32)


def _tc_finish(aggp, x, bids3, w_nbr, w_self, b2):
    return pl.pallas_call(
        _tc_body,
        grid=(NB,),
        in_specs=[
            pl.BlockSpec((NC, BN, D), lambda i: (0, i, 0)),
            pl.BlockSpec((BN, D), lambda i: (i, 0)),
            pl.BlockSpec((1, 1, BN), lambda i: (i, 0, 0)),
            pl.BlockSpec((D, D), lambda i: (0, 0)),
            pl.BlockSpec((D, D), lambda i: (0, 0)),
            pl.BlockSpec((1, D), lambda i: (0, 0)),
        ],
        out_specs=pl.BlockSpec((G, D), lambda i: (0, 0)),
        out_shape=jax.ShapeDtypeStruct((G, D), jnp.float32),
    )(aggp, x, bids3, w_nbr, w_self, b2)


def kernel(x, edge_index, batch_ids, W_nbr, W_self, b):
    E = edge_index.shape[1]
    xz = jnp.concatenate([x, jnp.zeros((1, D), jnp.float32)], axis=0)
    src3 = jnp.pad(edge_index[0], (0, EP - E),
                   constant_values=N).reshape(TSUP, SUP, CH)
    dst3 = jnp.pad(edge_index[1], (0, EP - E)).reshape(TSUP, SUP, CH)
    eidx = jnp.concatenate([src3, dst3], axis=1).reshape(TSUP * 2 * SUP, CH)
    zeros = jnp.zeros((CH, D), jnp.float32)
    aggp = _sc_aggregate(xz, eidx, zeros)
    bids3 = batch_ids.reshape(NB, 1, BN)
    return _tc_finish(aggp, x, bids3, W_nbr, W_self, b.reshape(1, D))

# --- scband reference (transcript-rebuilt; emitter-appended) ---
"""Pipeline reference for scband-gnn-58205396795405 (READ-ONLY COPY).

The authoritative reference and input builder live on the scoring server;
editing this copy changes nothing except your own understanding.
"""

import jax, jax.numpy as jnp
import numpy as np

N_NODES = 10000
N_EDGES = 320000
D_FEAT = 128
N_GRAPHS = 64


def setup_inputs(seed: int = 0) -> dict:
    key = jax.random.key(seed)
    k1, k2, k3, k4, k5, k6 = jax.random.split(key, 6)
    x = jax.random.normal(k1, (N_NODES, D_FEAT), dtype=jnp.float32)
    edge_index = jax.random.randint(k2, (2, N_EDGES), 0, N_NODES, dtype=jnp.int32)
    batch_ids = jnp.sort(jax.random.randint(k3, (N_NODES,), 0, N_GRAPHS, dtype=jnp.int32))
    # node_embedder parameters (single GCN-style conv: neighbor-aggregate + self loop + bias, relu)
    W_nbr = jax.random.normal(k4, (D_FEAT, D_FEAT), dtype=jnp.float32) * (1.0 / np.sqrt(D_FEAT))
    W_self = jax.random.normal(k5, (D_FEAT, D_FEAT), dtype=jnp.float32) * (1.0 / np.sqrt(D_FEAT))
    b = jax.random.normal(k6, (D_FEAT,), dtype=jnp.float32) * 0.01
    return {"x": x, "edge_index": edge_index, "batch_ids": batch_ids,
            "W_nbr": W_nbr, "W_self": W_self, "b": b}


def reference(x, edge_index, batch_ids, W_nbr, W_self, b):
    # node_embedder.forward(x, edge_index): message passing conv
    src = edge_index[0]
    dst = edge_index[1]
    msg = jnp.take(x, src, axis=0)                              # gather  [E, D]
    agg = jax.ops.segment_sum(msg, dst, num_segments=x.shape[0])  # scatter-add [N, D]
    h_v = jax.nn.relu(agg @ W_nbr + x @ W_self + b)             # [N, D]
    # global_add_pool(h_v, batch_ids) -> [G, D]
    h_g = jax.ops.segment_sum(h_v, batch_ids, num_segments=N_GRAPHS)
    return h_g

if __name__ == "__main__":
    import jax
    _d = setup_inputs()
    print(jax.jit(kernel)(*tuple(_d.values())))

</pallas_src>

<mosaic_0001>
#map = affine_map<(d0, d1) -> (0, 0)>
#map1 = affine_map<(d0, d1) -> (0, 0, 0)>
module attributes {stable_mosaic.version = 14 : i64} {
  func.func @_sc_body(%arg0: i32, %arg1: i32, %arg2: memref<10001x128xf32, #tpu.memory_space<hbm>>, %arg3: memref<5120x128xi32, #tpu.memory_space<hbm>>, %arg4: memref<128x128xf32, #tpu.memory_space<hbm>>, %arg5: memref<2x10000x128xf32, #tpu.memory_space<hbm>>, %arg6: memref<10000x128xf32, #tpu.memory_space<vmem_shared>>, %arg7: memref<8x128xi32, #tpu.memory_space<vmem>>, %arg8: memref<128x128xf32, #tpu.memory_space<vmem>>, %arg9: memref<128x128xf32, #tpu.memory_space<vmem>>, %arg10: memref<128x128xf32, #tpu.memory_space<vmem>>, %arg11: memref<!tpu.dma_semaphore, #tpu.memory_space<semaphore_mem>>, %arg12: memref<!tpu.dma_semaphore, #tpu.memory_space<semaphore_mem>>, %arg13: memref<!tpu.dma_semaphore, #tpu.memory_space<semaphore_mem>>) attributes {dimension_semantics = [#tpu.dimension_semantics<core_parallel>, #tpu.dimension_semantics<subcore_parallel>], iteration_bounds = array<i64: 2, 16>, scalar_prefetch = 0 : i64, scratch_operands = 8 : i64, tpu.core_type = #tpu.core_type<sc_vector_subcore>, window_params = [{transform_indices = #map}, {transform_indices = #map}, {transform_indices = #map}, {transform_indices = #map1}]} {
    "tpu.trace_start"() <{level = 10 : i32, message = "zero_phase"}> : () -> ()
    "tpu.region"() ({
      %run_scoped3A = tpu.sem_alloc : memref<!tpu.dma_semaphore, #tpu.memory_space<semaphore_mem>>
      tpu.enqueue_dma source(%arg4 : memref<128x128xf32, #tpu.memory_space<hbm>>) target(%arg8 : memref<128x128xf32, #tpu.memory_space<vmem>>) target_semaphore(%run_scoped3A : memref<!tpu.dma_semaphore, #tpu.memory_space<semaphore_mem>>)
      tpu.wait_dma2 semaphore(%run_scoped3A : memref<!tpu.dma_semaphore, #tpu.memory_space<semaphore_mem>>) src(%arg4 : memref<128x128xf32, #tpu.memory_space<hbm>>) dst(%arg8 : memref<128x128xf32, #tpu.memory_space<vmem>>)
      tpu.yield
    }) : () -> ()
    %mul3A = arith.constant 5 : i32
    %mul3A_0 = arith.muli %arg1, %mul3A : i32
    %add3A = arith.constant 0 : i32
    %add3A_1 = arith.addi %mul3A_0, %add3A : i32
    %lt3A = arith.constant 78 : i32
    %lt3A_2 = arith.cmpi slt, %add3A_1, %lt3A : i32
    %convert_element_type3A = arith.extui %lt3A_2 : i1 to i32
    %cond3A = arith.constant 0 : i32
    %cond3A_3 = arith.cmpi ne, %convert_element_type3A, %cond3A : i32
    scf.if %cond3A_3 {
      %mul3A_123 = arith.constant 128 : i32
      %mul3A_124 = arith.muli %add3A_1, %mul3A_123 : i32
      "tpu.region"() ({
        %run_scoped3A = tpu.sem_alloc : memref<!tpu.dma_semaphore, #tpu.memory_space<semaphore_mem>>
        %dma_start3A = arith.constant 0 : i32
        %dma_start3A_125 = tpu.memref_slice %arg6[%mul3A_124, %dma_start3A] : memref<10000x128xf32, #tpu.memory_space<vmem_shared>> -> memref<128x128xf32, #tpu.memory_space<vmem_shared>>
        %dma_start3A_126 = arith.constant 0 : i32
        %dma_start3A_127 = tpu.memref_slice %arg6[%mul3A_124, %dma_start3A_126] : memref<10000x128xf32, #tpu.memory_space<vmem_shared>> -> memref<128x128xf32, #tpu.memory_space<vmem_shared>>
        tpu.enqueue_dma source(%arg8 : memref<128x128xf32, #tpu.memory_space<vmem>>) target(%dma_start3A_127 : memref<128x128xf32, #tpu.memory_space<vmem_shared>>) target_semaphore(%run_scoped3A : memref<!tpu.dma_semaphore, #tpu.memory_space<semaphore_mem>>)
        %dma_wait3A = arith.constant 0 : i32
        %dma_wait3A_128 = tpu.memref_slice %arg6[%mul3A_124, %dma_wait3A] : memref<10000x128xf32, #tpu.memory_space<vmem_shared>> -> memref<128x128xf32, #tpu.memory_space<vmem_shared>>
        %dma_wait3A_129 = arith.constant 0 : i32
        %dma_wait3A_130 = tpu.memref_slice %arg6[%mul3A_124, %dma_wait3A_129] : memref<10000x128xf32, #tpu.memory_space<vmem_shared>> -> memref<128x128xf32, #tpu.memory_space<vmem_shared>>
        tpu.wait_dma2 semaphore(%run_scoped3A : memref<!tpu.dma_semaphore, #tpu.memory_space<semaphore_mem>>) src(%arg8 : memref<128x128xf32, #tpu.memory_space<vmem>>) dst(%dma_wait3A_130 : memref<128x128xf32, #tpu.memory_space<vmem_shared>>)
        tpu.yield
      }) : () -> ()
    } else {
    }
    %mul3A_4 = arith.constant 5 : i32
    %mul3A_5 = arith.muli %arg1, %mul3A_4 : i32
    %add3A_6 = arith.constant 1 : i32
    %add3A_7 = arith.addi %mul3A_5, %add3A_6 : i32
    %lt3A_8 = arith.constant 78 : i32
    %lt3A_9 = arith.cmpi slt, %add3A_7, %lt3A_8 : i32
    %convert_element_type3A_10 = arith.extui %lt3A_9 : i1 to i32
    %cond3A_11 = arith.constant 0 : i32
    %cond3A_12 = arith.cmpi ne, %convert_element_type3A_10, %cond3A_11 : i32
    scf.if %cond3A_12 {
      %mul3A_123 = arith.constant 128 : i32
      %mul3A_124 = arith.muli %add3A_7, %mul3A_123 : i32
      "tpu.region"() ({
        %run_scoped3A = tpu.sem_alloc : memref<!tpu.dma_semaphore, #tpu.memory_space<semaphore_mem>>
        %dma_start3A = arith.constant 0 : i32
        %dma_start3A_125 = tpu.memref_slice %arg6[%mul3A_124, %dma_start3A] : memref<10000x128xf32, #tpu.memory_space<vmem_shared>> -> memref<128x128xf32, #tpu.memory_space<vmem_shared>>
        %dma_start3A_126 = arith.constant 0 : i32
        %dma_start3A_127 = tpu.memref_slice %arg6[%mul3A_124, %dma_start3A_126] : memref<10000x128xf32, #tpu.memory_space<vmem_shared>> -> memref<128x128xf32, #tpu.memory_space<vmem_shared>>
        tpu.enqueue_dma source(%arg8 : memref<128x128xf32, #tpu.memory_space<vmem>>) target(%dma_start3A_127 : memref<128x128xf32, #tpu.memory_space<vmem_shared>>) target_semaphore(%run_scoped3A : memref<!tpu.dma_semaphore, #tpu.memory_space<semaphore_mem>>)
        %dma_wait3A = arith.constant 0 : i32
        %dma_wait3A_128 = tpu.memref_slice %arg6[%mul3A_124, %dma_wait3A] : memref<10000x128xf32, #tpu.memory_space<vmem_shared>> -> memref<128x128xf32, #tpu.memory_space<vmem_shared>>
        %dma_wait3A_129 = arith.constant 0 : i32
        %dma_wait3A_130 = tpu.memref_slice %arg6[%mul3A_124, %dma_wait3A_129] : memref<10000x128xf32, #tpu.memory_space<vmem_shared>> -> memref<128x128xf32, #tpu.memory_space<vmem_shared>>
        tpu.wait_dma2 semaphore(%run_scoped3A : memref<!tpu.dma_semaphore, #tpu.memory_space<semaphore_mem>>) src(%arg8 : memref<128x128xf32, #tpu.memory_space<vmem>>) dst(%dma_wait3A_130 : memref<128x128xf32, #tpu.memory_space<vmem_shared>>)
        tpu.yield
      }) : () -> ()
    } else {
    }
    %mul3A_13 = arith.constant 5 : i32
    %mul3A_14 = arith.muli %arg1, %mul3A_13 : i32
    %add3A_15 = arith.constant 2 : i32
    %add3A_16 = arith.addi %mul3A_14, %add3A_15 : i32
    %lt3A_17 = arith.constant 78 : i32
    %lt3A_18 = arith.cmpi slt, %add3A_16, %lt3A_17 : i32
    %convert_element_type3A_19 = arith.extui %lt3A_18 : i1 to i32
    %cond3A_20 = arith.constant 0 : i32
    %cond3A_21 = arith.cmpi ne, %convert_element_type3A_19, %cond3A_20 : i32
    scf.if %cond3A_21 {
      %mul3A_123 = arith.constant 128 : i32
      %mul3A_124 = arith.muli %add3A_16, %mul3A_123 : i32
      "tpu.region"() ({
        %run_scoped3A = tpu.sem_alloc : memref<!tpu.dma_semaphore, #tpu.memory_space<semaphore_mem>>
        %dma_start3A = arith.constant 0 : i32
        %dma_start3A_125 = tpu.memref_slice %arg6[%mul3A_124, %dma_start3A] : memref<10000x128xf32, #tpu.memory_space<vmem_shared>> -> memref<128x128xf32, #tpu.memory_space<vmem_shared>>
        %dma_start3A_126 = arith.constant 0 : i32
        %dma_start3A_127 = tpu.memref_slice %arg6[%mul3A_124, %dma_start3A_126] : memref<10000x128xf32, #tpu.memory_space<vmem_shared>> -> memref<128x128xf32, #tpu.memory_space<vmem_shared>>
        tpu.enqueue_dma source(%arg8 : memref<128x128xf32, #tpu.memory_space<vmem>>) target(%dma_start3A_127 : memref<128x128xf32, #tpu.memory_space<vmem_shared>>) target_semaphore(%run_scoped3A : memref<!tpu.dma_semaphore, #tpu.memory_space<semaphore_mem>>)
        %dma_wait3A = arith.constant 0 : i32
        %dma_wait3A_128 = tpu.memref_slice %arg6[%mul3A_124, %dma_wait3A] : memref<10000x128xf32, #tpu.memory_space<vmem_shared>> -> memref<128x128xf32, #tpu.memory_space<vmem_shared>>
        %dma_wait3A_129 = arith.constant 0 : i32
        %dma_wait3A_130 = tpu.memref_slice %arg6[%mul3A_124, %dma_wait3A_129] : memref<10000x128xf32, #tpu.memory_space<vmem_shared>> -> memref<128x128xf32, #tpu.memory_space<vmem_shared>>
        tpu.wait_dma2 semaphore(%run_scoped3A : memref<!tpu.dma_semaphore, #tpu.memory_space<semaphore_mem>>) src(%arg8 : memref<128x128xf32, #tpu.memory_space<vmem>>) dst(%dma_wait3A_130 : memref<128x128xf32, #tpu.memory_space<vmem_shared>>)
        tpu.yield
      }) : () -> ()
    } else {
    }
    %mul3A_22 = arith.constant 5 : i32
    %mul3A_23 = arith.muli %arg1, %mul3A_22 : i32
    %add3A_24 = arith.constant 3 : i32
    %add3A_25 = arith.addi %mul3A_23, %add3A_24 : i32
    %lt3A_26 = arith.constant 78 : i32
    %lt3A_27 = arith.cmpi slt, %add3A_25, %lt3A_26 : i32
    %convert_element_type3A_28 = arith.extui %lt3A_27 : i1 to i32
    %cond3A_29 = arith.constant 0 : i32
    %cond3A_30 = arith.cmpi ne, %convert_element_type3A_28, %cond3A_29 : i32
    scf.if %cond3A_30 {
      %mul3A_123 = arith.constant 128 : i32
      %mul3A_124 = arith.muli %add3A_25, %mul3A_123 : i32
      "tpu.region"() ({
        %run_scoped3A = tpu.sem_alloc : memref<!tpu.dma_semaphore, #tpu.memory_space<semaphore_mem>>
        %dma_start3A = arith.constant 0 : i32
        %dma_start3A_125 = tpu.memref_slice %arg6[%mul3A_124, %dma_start3A] : memref<10000x128xf32, #tpu.memory_space<vmem_shared>> -> memref<128x128xf32, #tpu.memory_space<vmem_shared>>
        %dma_start3A_126 = arith.constant 0 : i32
        %dma_start3A_127 = tpu.memref_slice %arg6[%mul3A_124, %dma_start3A_126] : memref<10000x128xf32, #tpu.memory_space<vmem_shared>> -> memref<128x128xf32, #tpu.memory_space<vmem_shared>>
        tpu.enqueue_dma source(%arg8 : memref<128x128xf32, #tpu.memory_space<vmem>>) target(%dma_start3A_127 : memref<128x128xf32, #tpu.memory_space<vmem_shared>>) target_semaphore(%run_scoped3A : memref<!tpu.dma_semaphore, #tpu.memory_space<semaphore_mem>>)
        %dma_wait3A = arith.constant 0 : i32
        %dma_wait3A_128 = tpu.memref_slice %arg6[%mul3A_124, %dma_wait3A] : memref<10000x128xf32, #tpu.memory_space<vmem_shared>> -> memref<128x128xf32, #tpu.memory_space<vmem_shared>>
        %dma_wait3A_129 = arith.constant 0 : i32
        %dma_wait3A_130 = tpu.memref_slice %arg6[%mul3A_124, %dma_wait3A_129] : memref<10000x128xf32, #tpu.memory_space<vmem_shared>> -> memref<128x128xf32, #tpu.memory_space<vmem_shared>>
        tpu.wait_dma2 semaphore(%run_scoped3A : memref<!tpu.dma_semaphore, #tpu.memory_space<semaphore_mem>>) src(%arg8 : memref<128x128xf32, #tpu.memory_space<vmem>>) dst(%dma_wait3A_130 : memref<128x128xf32, #tpu.memory_space<vmem_shared>>)
        tpu.yield
      }) : () -> ()
    } else {
    }
    %mul3A_31 = arith.constant 5 : i32
    %mul3A_32 = arith.muli %arg1, %mul3A_31 : i32
    %add3A_33 = arith.constant 4 : i32
    %add3A_34 = arith.addi %mul3A_32, %add3A_33 : i32
    %lt3A_35 = arith.constant 78 : i32
    %lt3A_36 = arith.cmpi slt, %add3A_34, %lt3A_35 : i32
    %convert_element_type3A_37 = arith.extui %lt3A_36 : i1 to i32
    %cond3A_38 = arith.constant 0 : i32
    %cond3A_39 = arith.cmpi ne, %convert_element_type3A_37, %cond3A_38 : i32
    scf.if %cond3A_39 {
      %mul3A_123 = arith.constant 128 : i32
      %mul3A_124 = arith.muli %add3A_34, %mul3A_123 : i32
      "tpu.region"() ({
        %run_scoped3A = tpu.sem_alloc : memref<!tpu.dma_semaphore, #tpu.memory_space<semaphore_mem>>
        %dma_start3A = arith.constant 0 : i32
        %dma_start3A_125 = tpu.memref_slice %arg6[%mul3A_124, %dma_start3A] : memref<10000x128xf32, #tpu.memory_space<vmem_shared>> -> memref<128x128xf32, #tpu.memory_space<vmem_shared>>
        %dma_start3A_126 = arith.constant 0 : i32
        %dma_start3A_127 = tpu.memref_slice %arg6[%mul3A_124, %dma_start3A_126] : memref<10000x128xf32, #tpu.memory_space<vmem_shared>> -> memref<128x128xf32, #tpu.memory_space<vmem_shared>>
        tpu.enqueue_dma source(%arg8 : memref<128x128xf32, #tpu.memory_space<vmem>>) target(%dma_start3A_127 : memref<128x128xf32, #tpu.memory_space<vmem_shared>>) target_semaphore(%run_scoped3A : memref<!tpu.dma_semaphore, #tpu.memory_space<semaphore_mem>>)
        %dma_wait3A = arith.constant 0 : i32
        %dma_wait3A_128 = tpu.memref_slice %arg6[%mul3A_124, %dma_wait3A] : memref<10000x128xf32, #tpu.memory_space<vmem_shared>> -> memref<128x128xf32, #tpu.memory_space<vmem_shared>>
        %dma_wait3A_129 = arith.constant 0 : i32
        %dma_wait3A_130 = tpu.memref_slice %arg6[%mul3A_124, %dma_wait3A_129] : memref<10000x128xf32, #tpu.memory_space<vmem_shared>> -> memref<128x128xf32, #tpu.memory_space<vmem_shared>>
        tpu.wait_dma2 semaphore(%run_scoped3A : memref<!tpu.dma_semaphore, #tpu.memory_space<semaphore_mem>>) src(%arg8 : memref<128x128xf32, #tpu.memory_space<vmem>>) dst(%dma_wait3A_130 : memref<128x128xf32, #tpu.memory_space<vmem_shared>>)
        tpu.yield
      }) : () -> ()
    } else {
    }
    %eq3A = arith.constant 15 : i32
    %eq3A_40 = arith.cmpi eq, %arg1, %eq3A : i32
    %convert_element_type3A_41 = arith.extui %eq3A_40 : i1 to i32
    %cond3A_42 = arith.constant 0 : i32
    %cond3A_43 = arith.cmpi ne, %convert_element_type3A_41, %cond3A_42 : i32
    scf.if %cond3A_43 {
      "tpu.region"() ({
        %run_scoped3A = tpu.sem_alloc : memref<!tpu.dma_semaphore, #tpu.memory_space<semaphore_mem>>
        %dma_start3A = arith.constant 0 : i32
        %dma_start3A_123 = arith.constant 0 : i32
        %dma_start3A_124 = tpu.memref_slice %arg8[%dma_start3A, %dma_start3A_123] : memref<128x128xf32, #tpu.memory_space<vmem>> -> memref<16x128xf32, #tpu.memory_space<vmem>>
        %dma_start3A_125 = arith.constant 9984 : i32
        %dma_start3A_126 = arith.constant 0 : i32
        %dma_start3A_127 = tpu.memref_slice %arg6[%dma_start3A_125, %dma_start3A_126] : memref<10000x128xf32, #tpu.memory_space<vmem_shared>> -> memref<16x128xf32, #tpu.memory_space<vmem_shared>>
        %dma_start3A_128 = arith.constant 9984 : i32
        %dma_start3A_129 = arith.constant 0 : i32
        %dma_start3A_130 = tpu.memref_slice %arg6[%dma_start3A_128, %dma_start3A_129] : memref<10000x128xf32, #tpu.memory_space<vmem_shared>> -> memref<16x128xf32, #tpu.memory_space<vmem_shared>>
        %dma_start3A_131 = arith.constant 0 : i32
        %dma_start3A_132 = arith.constant 0 : i32
        %dma_start3A_133 = tpu.memref_slice %arg8[%dma_start3A_131, %dma_start3A_132] : memref<128x128xf32, #tpu.memory_space<vmem>> -> memref<16x128xf32, #tpu.memory_space<vmem>>
        tpu.enqueue_dma source(%dma_start3A_133 : memref<16x128xf32, #tpu.memory_space<vmem>>) target(%dma_start3A_130 : memref<16x128xf32, #tpu.memory_space<vmem_shared>>) target_semaphore(%run_scoped3A : memref<!tpu.dma_semaphore, #tpu.memory_space<semaphore_mem>>)
        %dma_wait3A = arith.constant 0 : i32
        %dma_wait3A_134 = arith.constant 0 : i32
        %dma_wait3A_135 = tpu.memref_slice %arg8[%dma_wait3A, %dma_wait3A_134] : memref<128x128xf32, #tpu.memory_space<vmem>> -> memref<16x128xf32, #tpu.memory_space<vmem>>
        %dma_wait3A_136 = arith.constant 9984 : i32
        %dma_wait3A_137 = arith.constant 0 : i32
        %dma_wait3A_138 = tpu.memref_slice %arg6[%dma_wait3A_136, %dma_wait3A_137] : memref<10000x128xf32, #tpu.memory_space<vmem_shared>> -> memref<16x128xf32, #tpu.memory_space<vmem_shared>>
        %dma_wait3A_139 = arith.constant 9984 : i32
        %dma_wait3A_140 = arith.constant 0 : i32
        %dma_wait3A_141 = tpu.memref_slice %arg6[%dma_wait3A_139, %dma_wait3A_140] : memref<10000x128xf32, #tpu.memory_space<vmem_shared>> -> memref<16x128xf32, #tpu.memory_space<vmem_shared>>
        %dma_wait3A_142 = arith.constant 0 : i32
        %dma_wait3A_143 = arith.constant 0 : i32
        %dma_wait3A_144 = tpu.memref_slice %arg8[%dma_wait3A_142, %dma_wait3A_143] : memref<128x128xf32, #tpu.memory_space<vmem>> -> memref<16x128xf32, #tpu.memory_space<vmem>>
        tpu.wait_dma2 semaphore(%run_scoped3A : memref<!tpu.dma_semaphore, #tpu.memory_space<semaphore_mem>>) src(%dma_wait3A_144 : memref<16x128xf32, #tpu.memory_space<vmem>>) dst(%dma_wait3A_141 : memref<16x128xf32, #tpu.memory_space<vmem_shared>>)
        tpu.yield
      }) : () -> ()
    } else {
    }
    %barrier3A = arith.constant 0 : index
    tpu.barrier barrier_id(%barrier3A)
    %eq3A_44 = arith.constant 0 : i32
    "tpu.trace_stop"() : () -> ()
    %eq3A_45 = arith.cmpi eq, %arg0, %eq3A_44 : i32
    %jit3A = arith.constant 38 : i32
    %jit3A_46 = arith.constant 2 : i32
    %select_n3A = arith.select %eq3A_45, %jit3A, %jit3A_46 : i32
    %eq3A_47 = arith.constant 0 : i32
    %eq3A_48 = arith.cmpi eq, %arg0, %eq3A_47 : i32
    %mul3A_49 = arith.constant 38 : i32
    %mul3A_50 = arith.muli %arg1, %mul3A_49 : i32
    %mul3A_51 = arith.constant 2 : i32
    %mul3A_52 = arith.muli %arg1, %mul3A_51 : i32
    %add3A_53 = arith.constant 608 : i32
    %add3A_54 = arith.addi %add3A_53, %mul3A_52 : i32
    %select_n3A_55 = arith.select %eq3A_48, %mul3A_50, %add3A_54 : i32
    "tpu.trace_start"() <{level = 10 : i32, message = "edge_phase"}> : () -> ()
    %sub3A = arith.constant 0 : i32
    %sub3A_56 = arith.subi %select_n3A, %sub3A : i32
    %sub3A_57 = arith.constant 1 : i32
    %sub3A_58 = arith.constant 1 : i32
    %sub3A_59 = arith.subi %sub3A_57, %sub3A_58 : i32
    %add3A_60 = arith.addi %sub3A_56, %sub3A_59 : i32
    %div3A = arith.constant 1 : i32
    %div3A_61 = arith.divsi %add3A_60, %div3A : i32
    %while3A = arith.constant 1 : i32
    %while3A_62 = arith.constant 0 : i32
    %while3A_63 = arith.constant 0 : i32
    %while3A_64 = arith.subi %div3A_61, %while3A_63 : i32
    %while3A_65 = arith.addi %while3A_63, %while3A_64 : i32
    %while3A_66 = arith.constant 1 : i32
    %while3A_67 = arith.divsi %while3A_64, %while3A_66 : i32
    %while3A_68 = arith.muli %while3A_67, %while3A_66 : i32
    %while3A_69 = arith.addi %while3A_63, %while3A_68 : i32
    %while3A_70 = arith.constant 1 : i32
    scf.for %while3A_123 = %while3A_63 to %while3A_69 step %while3A_70  : i32 {
      %mul3A_124 = arith.muli %while3A_123, %while3A : i32
      %add3A_125 = arith.addi %while3A_62, %mul3A_124 : i32
      %add3A_126 = arith.addi %select_n3A_55, %add3A_125 : i32
      %mul3A_127 = arith.constant 8 : i32
      %mul3A_128 = arith.muli %add3A_126, %mul3A_127 : i32
      "tpu.region"() ({
        %run_scoped3A_159 = tpu.sem_alloc : memref<!tpu.dma_semaphore, #tpu.memory_space<semaphore_mem>>
        %dma_start3A_160 = arith.constant 0 : i32
        %dma_start3A_161 = tpu.memref_slice %arg3[%mul3A_128, %dma_start3A_160] : memref<5120x128xi32, #tpu.memory_space<hbm>> -> memref<8x128xi32, #tpu.memory_space<hbm>>
        %dma_start3A_162 = arith.constant 0 : i32
        %dma_start3A_163 = tpu.memref_slice %arg3[%mul3A_128, %dma_start3A_162] : memref<5120x128xi32, #tpu.memory_space<hbm>> -> memref<8x128xi32, #tpu.memory_space<hbm>>
        tpu.enqueue_dma source(%dma_start3A_163 : memref<8x128xi32, #tpu.memory_space<hbm>>) target(%arg7 : memref<8x128xi32, #tpu.memory_space<vmem>>) target_semaphore(%run_scoped3A_159 : memref<!tpu.dma_semaphore, #tpu.memory_space<semaphore_mem>>)
        %dma_wait3A = arith.constant 0 : i32
        %dma_wait3A_164 = tpu.memref_slice %arg3[%mul3A_128, %dma_wait3A] : memref<5120x128xi32, #tpu.memory_space<hbm>> -> memref<8x128xi32, #tpu.memory_space<hbm>>
        %dma_wait3A_165 = arith.constant 0 : i32
        %dma_wait3A_166 = tpu.memref_slice %arg3[%mul3A_128, %dma_wait3A_165] : memref<5120x128xi32, #tpu.memory_space<hbm>> -> memref<8x128xi32, #tpu.memory_space<hbm>>
        tpu.wait_dma2 semaphore(%run_scoped3A_159 : memref<!tpu.dma_semaphore, #tpu.memory_space<semaphore_mem>>) src(%dma_wait3A_166 : memref<8x128xi32, #tpu.memory_space<hbm>>) dst(%arg7 : memref<8x128xi32, #tpu.memory_space<vmem>>)
        tpu.yield
      }) : () -> ()
      %dma_start3A = arith.constant 0 : i32
      %dma_start3A_129 = arith.constant 0 : i32
      %dma_start3A_130 = tpu.memref_slice %arg7[%dma_start3A, %dma_start3A_129] : memref<8x128xi32, #tpu.memory_space<vmem>> -> memref<1x128xi32, #tpu.memory_space<vmem>>
      %dma_start3A_131 = tpu.memref_squeeze %dma_start3A_130 : memref<1x128xi32, #tpu.memory_space<vmem>> -> memref<128xi32, #tpu.memory_space<vmem>>
      %dma_start3A_132 = arith.constant 0 : i32
      %dma_start3A_133 = arith.constant 0 : i32
      %dma_start3A_134 = tpu.memref_slice %arg2[%dma_start3A_132, %dma_start3A_133] : memref<10001x128xf32, #tpu.memory_space<hbm>> -> memref<10001x128xf32, #tpu.memory_space<hbm>>
      tpu.enqueue_indirect_dma source(%dma_start3A_134 : memref<10001x128xf32, #tpu.memory_space<hbm>>) target(%arg8 : memref<128x128xf32, #tpu.memory_space<vmem>>) offsets(%dma_start3A_131 : memref<128xi32, #tpu.memory_space<vmem>>) semaphore(%arg11 : memref<!tpu.dma_semaphore, #tpu.memory_space<semaphore_mem>>)
      %dma_start3A_135 = arith.constant 1 : i32
      %dma_start3A_136 = arith.constant 0 : i32
      %dma_start3A_137 = tpu.memref_slice %arg7[%dma_start3A_135, %dma_start3A_136] : memref<8x128xi32, #tpu.memory_space<vmem>> -> memref<1x128xi32, #tpu.memory_space<vmem>>
      %dma_start3A_138 = tpu.memref_squeeze %dma_start3A_137 : memref<1x128xi32, #tpu.memory_space<vmem>> -> memref<128xi32, #tpu.memory_space<vmem>>
      %dma_start3A_139 = arith.constant 0 : i32
      %dma_start3A_140 = arith.constant 0 : i32
      %dma_start3A_141 = tpu.memref_slice %arg2[%dma_start3A_139, %dma_start3A_140] : memref<10001x128xf32, #tpu.memory_space<hbm>> -> memref<10001x128xf32, #tpu.memory_space<hbm>>
      tpu.enqueue_indirect_dma source(%dma_start3A_141 : memref<10001x128xf32, #tpu.memory_space<hbm>>) target(%arg9 : memref<128x128xf32, #tpu.memory_space<vmem>>) offsets(%dma_start3A_138 : memref<128xi32, #tpu.memory_space<vmem>>) semaphore(%arg12 : memref<!tpu.dma_semaphore, #tpu.memory_space<semaphore_mem>>)
      tpu.wait_dma2 semaphore(%arg11 : memref<!tpu.dma_semaphore, #tpu.memory_space<semaphore_mem>>) src(%arg4 : memref<128x128xf32, #tpu.memory_space<hbm>>) dst(%arg8 : memref<128x128xf32, #tpu.memory_space<vmem>>)
      %dma_start3A_142 = arith.constant 2 : i32
      %dma_start3A_143 = arith.constant 0 : i32
      %dma_start3A_144 = tpu.memref_slice %arg7[%dma_start3A_142, %dma_start3A_143] : memref<8x128xi32, #tpu.memory_space<vmem>> -> memref<1x128xi32, #tpu.memory_space<vmem>>
      %dma_start3A_145 = tpu.memref_squeeze %dma_start3A_144 : memref<1x128xi32, #tpu.memory_space<vmem>> -> memref<128xi32, #tpu.memory_space<vmem>>
      %dma_start3A_146 = arith.constant 0 : i32
      %dma_start3A_147 = arith.constant 0 : i32
      %dma_start3A_148 = tpu.memref_slice %arg2[%dma_start3A_146, %dma_start3A_147] : memref<10001x128xf32, #tpu.memory_space<hbm>> -> memref<10001x128xf32, #tpu.memory_space<hbm>>
      tpu.enqueue_indirect_dma source(%dma_start3A_148 : memref<10001x128xf32, #tpu.memory_space<hbm>>) target(%arg10 : memref<128x128xf32, #tpu.memory_space<vmem>>) offsets(%dma_start3A_145 : memref<128xi32, #tpu.memory_space<vmem>>) semaphore(%arg13 : memref<!tpu.dma_semaphore, #tpu.memory_space<semaphore_mem>>)
      %run_scoped3A = arith.constant 4 : i32
      "tpu.region"() ({
        %run_scoped3A_159 = tpu.sem_alloc : memref<!tpu.dma_semaphore, #tpu.memory_space<semaphore_mem>>
        %dma_start3A_160 = arith.constant 0 : i32
        %dma_start3A_161 = tpu.memref_slice %arg7[%run_scoped3A, %dma_start3A_160] : memref<8x128xi32, #tpu.memory_space<vmem>> -> memref<1x128xi32, #tpu.memory_space<vmem>>
        %dma_start3A_162 = tpu.memref_squeeze %dma_start3A_161 : memref<1x128xi32, #tpu.memory_space<vmem>> -> memref<128xi32, #tpu.memory_space<vmem>>
        %dma_start3A_163 = arith.constant 0 : i32
        %dma_start3A_164 = arith.constant 0 : i32
        %dma_start3A_165 = tpu.memref_slice %arg6[%dma_start3A_163, %dma_start3A_164] : memref<10000x128xf32, #tpu.memory_space<vmem_shared>> -> memref<10000x128xf32, #tpu.memory_space<vmem_shared>>
        tpu.enqueue_indirect_dma source(%arg8 : memref<128x128xf32, #tpu.memory_space<vmem>>) target(%dma_start3A_165 : memref<10000x128xf32, #tpu.memory_space<vmem_shared>>) offsets(%dma_start3A_162 : memref<128xi32, #tpu.memory_space<vmem>>) semaphore(%run_scoped3A_159 : memref<!tpu.dma_semaphore, #tpu.memory_space<semaphore_mem>>) {add = true}
        %dma_wait3A = arith.constant 0 : i32
        %dma_wait3A_166 = tpu.memref_slice %arg7[%run_scoped3A, %dma_wait3A] : memref<8x128xi32, #tpu.memory_space<vmem>> -> memref<1x128xi32, #tpu.memory_space<vmem>>
        %dma_wait3A_167 = tpu.memref_squeeze %dma_wait3A_166 : memref<1x128xi32, #tpu.memory_space<vmem>> -> memref<128xi32, #tpu.memory_space<vmem>>
        %dma_wait3A_168 = arith.constant 0 : i32
        %dma_wait3A_169 = arith.constant 0 : i32
        %dma_wait3A_170 = tpu.memref_slice %arg6[%dma_wait3A_168, %dma_wait3A_169] : memref<10000x128xf32, #tpu.memory_space<vmem_shared>> -> memref<10000x128xf32, #tpu.memory_space<vmem_shared>>
        tpu.wait_indirect_dma semaphore(%run_scoped3A_159 : memref<!tpu.dma_semaphore, #tpu.memory_space<semaphore_mem>>) src(%arg8 : memref<128x128xf32, #tpu.memory_space<vmem>>) dst(%dma_wait3A_170 : memref<10000x128xf32, #tpu.memory_space<vmem_shared>>)
        tpu.yield
      }) : () -> ()
      tpu.wait_dma2 semaphore(%arg12 : memref<!tpu.dma_semaphore, #tpu.memory_space<semaphore_mem>>) src(%arg4 : memref<128x128xf32, #tpu.memory_space<hbm>>) dst(%arg9 : memref<128x128xf32, #tpu.memory_space<vmem>>)
      %dma_start3A_149 = arith.constant 3 : i32
      %dma_start3A_150 = arith.constant 0 : i32
      %dma_start3A_151 = tpu.memref_slice %arg7[%dma_start3A_149, %dma_start3A_150] : memref<8x128xi32, #tpu.memory_space<vmem>> -> memref<1x128xi32, #tpu.memory_space<vmem>>
      %dma_start3A_152 = tpu.memref_squeeze %dma_start3A_151 : memref<1x128xi32, #tpu.memory_space<vmem>> -> memref<128xi32, #tpu.memory_space<vmem>>
      %dma_start3A_153 = arith.constant 0 : i32
      %dma_start3A_154 = arith.constant 0 : i32
      %dma_start3A_155 = tpu.memref_slice %arg2[%dma_start3A_153, %dma_start3A_154] : memref<10001x128xf32, #tpu.memory_space<hbm>> -> memref<10001x128xf32, #tpu.memory_space<hbm>>
      tpu.enqueue_indirect_dma source(%dma_start3A_155 : memref<10001x128xf32, #tpu.memory_space<hbm>>) target(%arg8 : memref<128x128xf32, #tpu.memory_space<vmem>>) offsets(%dma_start3A_152 : memref<128xi32, #tpu.memory_space<vmem>>) semaphore(%arg11 : memref<!tpu.dma_semaphore, #tpu.memory_space<semaphore_mem>>)
      %run_scoped3A_156 = arith.constant 5 : i32
      "tpu.region"() ({
        %run_scoped3A_159 = tpu.sem_alloc : memref<!tpu.dma_semaphore, #tpu.memory_space<semaphore_mem>>
        %dma_start3A_160 = arith.constant 0 : i32
        %dma_start3A_161 = tpu.memref_slice %arg7[%run_scoped3A_156, %dma_start3A_160] : memref<8x128xi32, #tpu.memory_space<vmem>> -> memref<1x128xi32, #tpu.memory_space<vmem>>
        %dma_start3A_162 = tpu.memref_squeeze %dma_start3A_161 : memref<1x128xi32, #tpu.memory_space<vmem>> -> memref<128xi32, #tpu.memory_space<vmem>>
        %dma_start3A_163 = arith.constant 0 : i32
        %dma_start3A_164 = arith.constant 0 : i32
        %dma_start3A_165 = tpu.memref_slice %arg6[%dma_start3A_163, %dma_start3A_164] : memref<10000x128xf32, #tpu.memory_space<vmem_shared>> -> memref<10000x128xf32, #tpu.memory_space<vmem_shared>>
        tpu.enqueue_indirect_dma source(%arg9 : memref<128x128xf32, #tpu.memory_space<vmem>>) target(%dma_start3A_165 : memref<10000x128xf32, #tpu.memory_space<vmem_shared>>) offsets(%dma_start3A_162 : memref<128xi32, #tpu.memory_space<vmem>>) semaphore(%run_scoped3A_159 : memref<!tpu.dma_semaphore, #tpu.memory_space<semaphore_mem>>) {add = true}
        %dma_wait3A = arith.constant 0 : i32
        %dma_wait3A_166 = tpu.memref_slice %arg7[%run_scoped3A_156, %dma_wait3A] : memref<8x128xi32, #tpu.memory_space<vmem>> -> memref<1x128xi32, #tpu.memory_space<vmem>>
        %dma_wait3A_167 = tpu.memref_squeeze %dma_wait3A_166 : memref<1x128xi32, #tpu.memory_space<vmem>> -> memref<128xi32, #tpu.memory_space<vmem>>
        %dma_wait3A_168 = arith.constant 0 : i32
        %dma_wait3A_169 = arith.constant 0 : i32
        %dma_wait3A_170 = tpu.memref_slice %arg6[%dma_wait3A_168, %dma_wait3A_169] : memref<10000x128xf32, #tpu.memory_space<vmem_shared>> -> memref<10000x128xf32, #tpu.memory_space<vmem_shared>>
        tpu.wait_indirect_dma semaphore(%run_scoped3A_159 : memref<!tpu.dma_semaphore, #tpu.memory_space<semaphore_mem>>) src(%arg9 : memref<128x128xf32, #tpu.memory_space<vmem>>) dst(%dma_wait3A_170 : memref<10000x128xf32, #tpu.memory_space<vmem_shared>>)
        tpu.yield
      }) : () -> ()
      tpu.wait_dma2 semaphore(%arg13 : memref<!tpu.dma_semaphore, #tpu.memory_space<semaphore_mem>>) src(%arg4 : memref<128x128xf32, #tpu.memory_space<hbm>>) dst(%arg10 : memref<128x128xf32, #tpu.memory_space<vmem>>)
      %run_scoped3A_157 = arith.constant 6 : i32
      "tpu.region"() ({
        %run_scoped3A_159 = tpu.sem_alloc : memref<!tpu.dma_semaphore, #tpu.memory_space<semaphore_mem>>
        %dma_start3A_160 = arith.constant 0 : i32
        %dma_start3A_161 = tpu.memref_slice %arg7[%run_scoped3A_157, %dma_start3A_160] : memref<8x128xi32, #tpu.memory_space<vmem>> -> memref<1x128xi32, #tpu.memory_space<vmem>>
        %dma_start3A_162 = tpu.memref_squeeze %dma_start3A_161 : memref<1x128xi32, #tpu.memory_space<vmem>> -> memref<128xi32, #tpu.memory_space<vmem>>
        %dma_start3A_163 = arith.constant 0 : i32
        %dma_start3A_164 = arith.constant 0 : i32
        %dma_start3A_165 = tpu.memref_slice %arg6[%dma_start3A_163, %dma_start3A_164] : memref<10000x128xf32, #tpu.memory_space<vmem_shared>> -> memref<10000x128xf32, #tpu.memory_space<vmem_shared>>
        tpu.enqueue_indirect_dma source(%arg10 : memref<128x128xf32, #tpu.memory_space<vmem>>) target(%dma_start3A_165 : memref<10000x128xf32, #tpu.memory_space<vmem_shared>>) offsets(%dma_start3A_162 : memref<128xi32, #tpu.memory_space<vmem>>) semaphore(%run_scoped3A_159 : memref<!tpu.dma_semaphore, #tpu.memory_space<semaphore_mem>>) {add = true}
        %dma_wait3A = arith.constant 0 : i32
        %dma_wait3A_166 = tpu.memref_slice %arg7[%run_scoped3A_157, %dma_wait3A] : memref<8x128xi32, #tpu.memory_space<vmem>> -> memref<1x128xi32, #tpu.memory_space<vmem>>
        %dma_wait3A_167 = tpu.memref_squeeze %dma_wait3A_166 : memref<1x128xi32, #tpu.memory_space<vmem>> -> memref<128xi32, #tpu.memory_space<vmem>>
        %dma_wait3A_168 = arith.constant 0 : i32
        %dma_wait3A_169 = arith.constant 0 : i32
        %dma_wait3A_170 = tpu.memref_slice %arg6[%dma_wait3A_168, %dma_wait3A_169] : memref<10000x128xf32, #tpu.memory_space<vmem_shared>> -> memref<10000x128xf32, #tpu.memory_space<vmem_shared>>
        tpu.wait_indirect_dma semaphore(%run_scoped3A_159 : memref<!tpu.dma_semaphore, #tpu.memory_space<semaphore_mem>>) src(%arg10 : memref<128x128xf32, #tpu.memory_space<vmem>>) dst(%dma_wait3A_170 : memref<10000x128xf32, #tpu.memory_space<vmem_shared>>)
        tpu.yield
      }) : () -> ()
      tpu.wait_dma2 semaphore(%arg11 : memref<!tpu.dma_semaphore, #tpu.memory_space<semaphore_mem>>) src(%arg4 : memref<128x128xf32, #tpu.memory_space<hbm>>) dst(%arg8 : memref<128x128xf32, #tpu.memory_space<vmem>>)
      %run_scoped3A_158 = arith.constant 7 : i32
      "tpu.region"() ({
        %run_scoped3A_159 = tpu.sem_alloc : memref<!tpu.dma_semaphore, #tpu.memory_space<semaphore_mem>>
        %dma_start3A_160 = arith.constant 0 : i32
        %dma_start3A_161 = tpu.memref_slice %arg7[%run_scoped3A_158, %dma_start3A_160] : memref<8x128xi32, #tpu.memory_space<vmem>> -> memref<1x128xi32, #tpu.memory_space<vmem>>
        %dma_start3A_162 = tpu.memref_squeeze %dma_start3A_161 : memref<1x128xi32, #tpu.memory_space<vmem>> -> memref<128xi32, #tpu.memory_space<vmem>>
        %dma_start3A_163 = arith.constant 0 : i32
        %dma_start3A_164 = arith.constant 0 : i32
        %dma_start3A_165 = tpu.memref_slice %arg6[%dma_start3A_163, %dma_start3A_164] : memref<10000x128xf32, #tpu.memory_space<vmem_shared>> -> memref<10000x128xf32, #tpu.memory_space<vmem_shared>>
        tpu.enqueue_indirect_dma source(%arg8 : memref<128x128xf32, #tpu.memory_space<vmem>>) target(%dma_start3A_165 : memref<10000x128xf32, #tpu.memory_space<vmem_shared>>) offsets(%dma_start3A_162 : memref<128xi32, #tpu.memory_space<vmem>>) semaphore(%run_scoped3A_159 : memref<!tpu.dma_semaphore, #tpu.memory_space<semaphore_mem>>) {add = true}
        %dma_wait3A = arith.constant 0 : i32
        %dma_wait3A_166 = tpu.memref_slice %arg7[%run_scoped3A_158, %dma_wait3A] : memref<8x128xi32, #tpu.memory_space<vmem>> -> memref<1x128xi32, #tpu.memory_space<vmem>>
        %dma_wait3A_167 = tpu.memref_squeeze %dma_wait3A_166 : memref<1x128xi32, #tpu.memory_space<vmem>> -> memref<128xi32, #tpu.memory_space<vmem>>
        %dma_wait3A_168 = arith.constant 0 : i32
        %dma_wait3A_169 = arith.constant 0 : i32
        %dma_wait3A_170 = tpu.memref_slice %arg6[%dma_wait3A_168, %dma_wait3A_169] : memref<10000x128xf32, #tpu.memory_space<vmem_shared>> -> memref<10000x128xf32, #tpu.memory_space<vmem_shared>>
        tpu.wait_indirect_dma semaphore(%run_scoped3A_159 : memref<!tpu.dma_semaphore, #tpu.memory_space<semaphore_mem>>) src(%arg8 : memref<128x128xf32, #tpu.memory_space<vmem>>) dst(%dma_wait3A_170 : memref<10000x128xf32, #tpu.memory_space<vmem_shared>>)
        tpu.yield
      }) : () -> ()
    }
    %while3A_71 = arith.constant 1 : i32
    scf.for %while3A_123 = %while3A_69 to %while3A_65 step %while3A_71  : i32 {
      %mul3A_124 = arith.muli %while3A_123, %while3A : i32
      %add3A_125 = arith.addi %while3A_62, %mul3A_124 : i32
      %add3A_126 = arith.addi %select_n3A_55, %add3A_125 : i32
      %mul3A_127 = arith.constant 8 : i32
      %mul3A_128 = arith.muli %add3A_126, %mul3A_127 : i32
      "tpu.region"() ({
        %run_scoped3A_159 = tpu.sem_alloc : memref<!tpu.dma_semaphore, #tpu.memory_space<semaphore_mem>>
        %dma_start3A_160 = arith.constant 0 : i32
        %dma_start3A_161 = tpu.memref_slice %arg3[%mul3A_128, %dma_start3A_160] : memref<5120x128xi32, #tpu.memory_space<hbm>> -> memref<8x128xi32, #tpu.memory_space<hbm>>
        %dma_start3A_162 = arith.constant 0 : i32
        %dma_start3A_163 = tpu.memref_slice %arg3[%mul3A_128, %dma_start3A_162] : memref<5120x128xi32, #tpu.memory_space<hbm>> -> memref<8x128xi32, #tpu.memory_space<hbm>>
        tpu.enqueue_dma source(%dma_start3A_163 : memref<8x128xi32, #tpu.memory_space<hbm>>) target(%arg7 : memref<8x128xi32, #tpu.memory_space<vmem>>) target_semaphore(%run_scoped3A_159 : memref<!tpu.dma_semaphore, #tpu.memory_space<semaphore_mem>>)
        %dma_wait3A = arith.constant 0 : i32
        %dma_wait3A_164 = tpu.memref_slice %arg3[%mul3A_128, %dma_wait3A] : memref<5120x128xi32, #tpu.memory_space<hbm>> -> memref<8x128xi32, #tpu.memory_space<hbm>>
        %dma_wait3A_165 = arith.constant 0 : i32
        %dma_wait3A_166 = tpu.memref_slice %arg3[%mul3A_128, %dma_wait3A_165] : memref<5120x128xi32, #tpu.memory_space<hbm>> -> memref<8x128xi32, #tpu.memory_space<hbm>>
        tpu.wait_dma2 semaphore(%run_scoped3A_159 : memref<!tpu.dma_semaphore, #tpu.memory_space<semaphore_mem>>) src(%dma_wait3A_166 : memref<8x128xi32, #tpu.memory_space<hbm>>) dst(%arg7 : memref<8x128xi32, #tpu.memory_space<vmem>>)
        tpu.yield
      }) : () -> ()
      %dma_start3A = arith.constant 0 : i32
      %dma_start3A_129 = arith.constant 0 : i32
      %dma_start3A_130 = tpu.memref_slice %arg7[%dma_start3A, %dma_start3A_129] : memref<8x128xi32, #tpu.memory_space<vmem>> -> memref<1x128xi32, #tpu.memory_space<vmem>>
      %dma_start3A_131 = tpu.memref_squeeze %dma_start3A_130 : memref<1x128xi32, #tpu.memory_space<vmem>> -> memref<128xi32, #tpu.memory_space<vmem>>
      %dma_start3A_132 = arith.constant 0 : i32
      %dma_start3A_133 = arith.constant 0 : i32
      %dma_start3A_134 = tpu.memref_slice %arg2[%dma_start3A_132, %dma_start3A_133] : memref<10001x128xf32, #tpu.memory_space<hbm>> -> memref<10001x128xf32, #tpu.memory_space<hbm>>
      tpu.enqueue_indirect_dma source(%dma_start3A_134 : memref<10001x128xf32, #tpu.memory_space<hbm>>) target(%arg8 : memref<128x128xf32, #tpu.memory_space<vmem>>) offsets(%dma_start3A_131 : memref<128xi32, #tpu.memory_space<vmem>>) semaphore(%arg11 : memref<!tpu.dma_semaphore, #tpu.memory_space<semaphore_mem>>)
      %dma_start3A_135 = arith.constant 1 : i32
      %dma_start3A_136 = arith.constant 0 : i32
      %dma_start3A_137 = tpu.memref_slice %arg7[%dma_start3A_135, %dma_start3A_136] : memref<8x128xi32, #tpu.memory_space<vmem>> -> memref<1x128xi32, #tpu.memory_space<vmem>>
      %dma_start3A_138 = tpu.memref_squeeze %dma_start3A_137 : memref<1x128xi32, #tpu.memory_space<vmem>> -> memref<128xi32, #tpu.memory_space<vmem>>
      %dma_start3A_139 = arith.constant 0 : i32
      %dma_start3A_140 = arith.constant 0 : i32
      %dma_start3A_141 = tpu.memref_slice %arg2[%dma_start3A_139, %dma_start3A_140] : memref<10001x128xf32, #tpu.memory_space<hbm>> -> memref<10001x128xf32, #tpu.memory_space<hbm>>
      tpu.enqueue_indirect_dma source(%dma_start3A_141 : memref<10001x128xf32, #tpu.memory_space<hbm>>) target(%arg9 : memref<128x128xf32, #tpu.memory_space<vmem>>) offsets(%dma_start3A_138 : memref<128xi32, #tpu.memory_space<vmem>>) semaphore(%arg12 : memref<!tpu.dma_semaphore, #tpu.memory_space<semaphore_mem>>)
      tpu.wait_dma2 semaphore(%arg11 : memref<!tpu.dma_semaphore, #tpu.memory_space<semaphore_mem>>) src(%arg4 : memref<128x128xf32, #tpu.memory_space<hbm>>) dst(%arg8 : memref<128x128xf32, #tpu.memory_space<vmem>>)
      %dma_start3A_142 = arith.constant 2 : i32
      %dma_start3A_143 = arith.constant 0 : i32
      %dma_start3A_144 = tpu.memref_slice %arg7[%dma_start3A_142, %dma_start3A_143] : memref<8x128xi32, #tpu.memory_space<vmem>> -> memref<1x128xi32, #tpu.memory_space<vmem>>
      %dma_start3A_145 = tpu.memref_squeeze %dma_start3A_144 : memref<1x128xi32, #tpu.memory_space<vmem>> -> memref<128xi32, #tpu.memory_space<vmem>>
      %dma_start3A_146 = arith.constant 0 : i32
      %dma_start3A_147 = arith.constant 0 : i32
      %dma_start3A_148 = tpu.memref_slice %arg2[%dma_start3A_146, %dma_start3A_147] : memref<10001x128xf32, #tpu.memory_space<hbm>> -> memref<10001x128xf32, #tpu.memory_space<hbm>>
      tpu.enqueue_indirect_dma source(%dma_start3A_148 : memref<10001x128xf32, #tpu.memory_space<hbm>>) target(%arg10 : memref<128x128xf32, #tpu.memory_space<vmem>>) offsets(%dma_start3A_145 : memref<128xi32, #tpu.memory_space<vmem>>) semaphore(%arg13 : memref<!tpu.dma_semaphore, #tpu.memory_space<semaphore_mem>>)
      %run_scoped3A = arith.constant 4 : i32
      "tpu.region"() ({
        %run_scoped3A_159 = tpu.sem_alloc : memref<!tpu.dma_semaphore, #tpu.memory_space<semaphore_mem>>
        %dma_start3A_160 = arith.constant 0 : i32
        %dma_start3A_161 = tpu.memref_slice %arg7[%run_scoped3A, %dma_start3A_160] : memref<8x128xi32, #tpu.memory_space<vmem>> -> memref<1x128xi32, #tpu.memory_space<vmem>>
        %dma_start3A_162 = tpu.memref_squeeze %dma_start3A_161 : memref<1x128xi32, #tpu.memory_space<vmem>> -> memref<128xi32, #tpu.memory_space<vmem>>
        %dma_start3A_163 = arith.constant 0 : i32
        %dma_start3A_164 = arith.constant 0 : i32
        %dma_start3A_165 = tpu.memref_slice %arg6[%dma_start3A_163, %dma_start3A_164] : memref<10000x128xf32, #tpu.memory_space<vmem_shared>> -> memref<10000x128xf32, #tpu.memory_space<vmem_shared>>
        tpu.enqueue_indirect_dma source(%arg8 : memref<128x128xf32, #tpu.memory_space<vmem>>) target(%dma_start3A_165 : memref<10000x128xf32, #tpu.memory_space<vmem_shared>>) offsets(%dma_start3A_162 : memref<128xi32, #tpu.memory_space<vmem>>) semaphore(%run_scoped3A_159 : memref<!tpu.dma_semaphore, #tpu.memory_space<semaphore_mem>>) {add = true}
        %dma_wait3A = arith.constant 0 : i32
        %dma_wait3A_166 = tpu.memref_slice %arg7[%run_scoped3A, %dma_wait3A] : memref<8x128xi32, #tpu.memory_space<vmem>> -> memref<1x128xi32, #tpu.memory_space<vmem>>
        %dma_wait3A_167 = tpu.memref_squeeze %dma_wait3A_166 : memref<1x128xi32, #tpu.memory_space<vmem>> -> memref<128xi32, #tpu.memory_space<vmem>>
        %dma_wait3A_168 = arith.constant 0 : i32
        %dma_wait3A_169 = arith.constant 0 : i32
        %dma_wait3A_170 = tpu.memref_slice %arg6[%dma_wait3A_168, %dma_wait3A_169] : memref<10000x128xf32, #tpu.memory_space<vmem_shared>> -> memref<10000x128xf32, #tpu.memory_space<vmem_shared>>
        tpu.wait_indirect_dma semaphore(%run_scoped3A_159 : memref<!tpu.dma_semaphore, #tpu.memory_space<semaphore_mem>>) src(%arg8 : memref<128x128xf32, #tpu.memory_space<vmem>>) dst(%dma_wait3A_170 : memref<10000x128xf32, #tpu.memory_space<vmem_shared>>)
        tpu.yield
      }) : () -> ()
      tpu.wait_dma2 semaphore(%arg12 : memref<!tpu.dma_semaphore, #tpu.memory_space<semaphore_mem>>) src(%arg4 : memref<128x128xf32, #tpu.memory_space<hbm>>) dst(%arg9 : memref<128x128xf32, #tpu.memory_space<vmem>>)
      %dma_start3A_149 = arith.constant 3 : i32
      %dma_start3A_150 = arith.constant 0 : i32
      %dma_start3A_151 = tpu.memref_slice %arg7[%dma_start3A_149, %dma_start3A_150] : memref<8x128xi32, #tpu.memory_space<vmem>> -> memref<1x128xi32, #tpu.memory_space<vmem>>
      %dma_start3A_152 = tpu.memref_squeeze %dma_start3A_151 : memref<1x128xi32, #tpu.memory_space<vmem>> -> memref<128xi32, #tpu.memory_space<vmem>>
      %dma_start3A_153 = arith.constant 0 : i32
      %dma_start3A_154 = arith.constant 0 : i32
      %dma_start3A_155 = tpu.memref_slice %arg2[%dma_start3A_153, %dma_start3A_154] : memref<10001x128xf32, #tpu.memory_space<hbm>> -> memref<10001x128xf32, #tpu.memory_space<hbm>>
      tpu.enqueue_indirect_dma source(%dma_start3A_155 : memref<10001x128xf32, #tpu.memory_space<hbm>>) target(%arg8 : memref<128x128xf32, #tpu.memory_space<vmem>>) offsets(%dma_start3A_152 : memref<128xi32, #tpu.memory_space<vmem>>) semaphore(%arg11 : memref<!tpu.dma_semaphore, #tpu.memory_space<semaphore_mem>>)
      %run_scoped3A_156 = arith.constant 5 : i32
      "tpu.region"() ({
        %run_scoped3A_159 = tpu.sem_alloc : memref<!tpu.dma_semaphore, #tpu.memory_space<semaphore_mem>>
        %dma_start3A_160 = arith.constant 0 : i32
        %dma_start3A_161 = tpu.memref_slice %arg7[%run_scoped3A_156, %dma_start3A_160] : memref<8x128xi32, #tpu.memory_space<vmem>> -> memref<1x128xi32, #tpu.memory_space<vmem>>
        %dma_start3A_162 = tpu.memref_squeeze %dma_start3A_161 : memref<1x128xi32, #tpu.memory_space<vmem>> -> memref<128xi32, #tpu.memory_space<vmem>>
        %dma_start3A_163 = arith.constant 0 : i32
        %dma_start3A_164 = arith.constant 0 : i32
        %dma_start3A_165 = tpu.memref_slice %arg6[%dma_start3A_163, %dma_start3A_164] : memref<10000x128xf32, #tpu.memory_space<vmem_shared>> -> memref<10000x128xf32, #tpu.memory_space<vmem_shared>>
        tpu.enqueue_indirect_dma source(%arg9 : memref<128x128xf32, #tpu.memory_space<vmem>>) target(%dma_start3A_165 : memref<10000x128xf32, #tpu.memory_space<vmem_shared>>) offsets(%dma_start3A_162 : memref<128xi32, #tpu.memory_space<vmem>>) semaphore(%run_scoped3A_159 : memref<!tpu.dma_semaphore, #tpu.memory_space<semaphore_mem>>) {add = true}
        %dma_wait3A = arith.constant 0 : i32
        %dma_wait3A_166 = tpu.memref_slice %arg7[%run_scoped3A_156, %dma_wait3A] : memref<8x128xi32, #tpu.memory_space<vmem>> -> memref<1x128xi32, #tpu.memory_space<vmem>>
        %dma_wait3A_167 = tpu.memref_squeeze %dma_wait3A_166 : memref<1x128xi32, #tpu.memory_space<vmem>> -> memref<128xi32, #tpu.memory_space<vmem>>
        %dma_wait3A_168 = arith.constant 0 : i32
        %dma_wait3A_169 = arith.constant 0 : i32
        %dma_wait3A_170 = tpu.memref_slice %arg6[%dma_wait3A_168, %dma_wait3A_169] : memref<10000x128xf32, #tpu.memory_space<vmem_shared>> -> memref<10000x128xf32, #tpu.memory_space<vmem_shared>>
        tpu.wait_indirect_dma semaphore(%run_scoped3A_159 : memref<!tpu.dma_semaphore, #tpu.memory_space<semaphore_mem>>) src(%arg9 : memref<128x128xf32, #tpu.memory_space<vmem>>) dst(%dma_wait3A_170 : memref<10000x128xf32, #tpu.memory_space<vmem_shared>>)
        tpu.yield
      }) : () -> ()
      tpu.wait_dma2 semaphore(%arg13 : memref<!tpu.dma_semaphore, #tpu.memory_space<semaphore_mem>>) src(%arg4 : memref<128x128xf32, #tpu.memory_space<hbm>>) dst(%arg10 : memref<128x128xf32, #tpu.memory_space<vmem>>)
      %run_scoped3A_157 = arith.constant 6 : i32
      "tpu.region"() ({
        %run_scoped3A_159 = tpu.sem_alloc : memref<!tpu.dma_semaphore, #tpu.memory_space<semaphore_mem>>
        %dma_start3A_160 = arith.constant 0 : i32
        %dma_start3A_161 = tpu.memref_slice %arg7[%run_scoped3A_157, %dma_start3A_160] : memref<8x128xi32, #tpu.memory_space<vmem>> -> memref<1x128xi32, #tpu.memory_space<vmem>>
        %dma_start3A_162 = tpu.memref_squeeze %dma_start3A_161 : memref<1x128xi32, #tpu.memory_space<vmem>> -> memref<128xi32, #tpu.memory_space<vmem>>
        %dma_start3A_163 = arith.constant 0 : i32
        %dma_start3A_164 = arith.constant 0 : i32
        %dma_start3A_165 = tpu.memref_slice %arg6[%dma_start3A_163, %dma_start3A_164] : memref<10000x128xf32, #tpu.memory_space<vmem_shared>> -> memref<10000x128xf32, #tpu.memory_space<vmem_shared>>
        tpu.enqueue_indirect_dma source(%arg10 : memref<128x128xf32, #tpu.memory_space<vmem>>) target(%dma_start3A_165 : memref<10000x128xf32, #tpu.memory_space<vmem_shared>>) offsets(%dma_start3A_162 : memref<128xi32, #tpu.memory_space<vmem>>) semaphore(%run_scoped3A_159 : memref<!tpu.dma_semaphore, #tpu.memory_space<semaphore_mem>>) {add = true}
        %dma_wait3A = arith.constant 0 : i32
        %dma_wait3A_166 = tpu.memref_slice %arg7[%run_scoped3A_157, %dma_wait3A] : memref<8x128xi32, #tpu.memory_space<vmem>> -> memref<1x128xi32, #tpu.memory_space<vmem>>
        %dma_wait3A_167 = tpu.memref_squeeze %dma_wait3A_166 : memref<1x128xi32, #tpu.memory_space<vmem>> -> memref<128xi32, #tpu.memory_space<vmem>>
        %dma_wait3A_168 = arith.constant 0 : i32
        %dma_wait3A_169 = arith.constant 0 : i32
        %dma_wait3A_170 = tpu.memref_slice %arg6[%dma_wait3A_168, %dma_wait3A_169] : memref<10000x128xf32, #tpu.memory_space<vmem_shared>> -> memref<10000x128xf32, #tpu.memory_space<vmem_shared>>
        tpu.wait_indirect_dma semaphore(%run_scoped3A_159 : memref<!tpu.dma_semaphore, #tpu.memory_space<semaphore_mem>>) src(%arg10 : memref<128x128xf32, #tpu.memory_space<vmem>>) dst(%dma_wait3A_170 : memref<10000x128xf32, #tpu.memory_space<vmem_shared>>)
        tpu.yield
      }) : () -> ()
      tpu.wait_dma2 semaphore(%arg11 : memref<!tpu.dma_semaphore, #tpu.memory_space<semaphore_mem>>) src(%arg4 : memref<128x128xf32, #tpu.memory_space<hbm>>) dst(%arg8 : memref<128x128xf32, #tpu.memory_space<vmem>>)
      %run_scoped3A_158 = arith.constant 7 : i32
      "tpu.region"() ({
        %run_scoped3A_159 = tpu.sem_alloc : memref<!tpu.dma_semaphore, #tpu.memory_space<semaphore_mem>>
        %dma_start3A_160 = arith.constant 0 : i32
        %dma_start3A_161 = tpu.memref_slice %arg7[%run_scoped3A_158, %dma_start3A_160] : memref<8x128xi32, #tpu.memory_space<vmem>> -> memref<1x128xi32, #tpu.memory_space<vmem>>
        %dma_start3A_162 = tpu.memref_squeeze %dma_start3A_161 : memref<1x128xi32, #tpu.memory_space<vmem>> -> memref<128xi32, #tpu.memory_space<vmem>>
        %dma_start3A_163 = arith.constant 0 : i32
        %dma_start3A_164 = arith.constant 0 : i32
        %dma_start3A_165 = tpu.memref_slice %arg6[%dma_start3A_163, %dma_start3A_164] : memref<10000x128xf32, #tpu.memory_space<vmem_shared>> -> memref<10000x128xf32, #tpu.memory_space<vmem_shared>>
        tpu.enqueue_indirect_dma source(%arg8 : memref<128x128xf32, #tpu.memory_space<vmem>>) target(%dma_start3A_165 : memref<10000x128xf32, #tpu.memory_space<vmem_shared>>) offsets(%dma_start3A_162 : memref<128xi32, #tpu.memory_space<vmem>>) semaphore(%run_scoped3A_159 : memref<!tpu.dma_semaphore, #tpu.memory_space<semaphore_mem>>) {add = true}
        %dma_wait3A = arith.constant 0 : i32
        %dma_wait3A_166 = tpu.memref_slice %arg7[%run_scoped3A_158, %dma_wait3A] : memref<8x128xi32, #tpu.memory_space<vmem>> -> memref<1x128xi32, #tpu.memory_space<vmem>>
        %dma_wait3A_167 = tpu.memref_squeeze %dma_wait3A_166 : memref<1x128xi32, #tpu.memory_space<vmem>> -> memref<128xi32, #tpu.memory_space<vmem>>
        %dma_wait3A_168 = arith.constant 0 : i32
        %dma_wait3A_169 = arith.constant 0 : i32
        %dma_wait3A_170 = tpu.memref_slice %arg6[%dma_wait3A_168, %dma_wait3A_169] : memref<10000x128xf32, #tpu.memory_space<vmem_shared>> -> memref<10000x128xf32, #tpu.memory_space<vmem_shared>>
        tpu.wait_indirect_dma semaphore(%run_scoped3A_159 : memref<!tpu.dma_semaphore, #tpu.memory_space<semaphore_mem>>) src(%arg8 : memref<128x128xf32, #tpu.memory_space<vmem>>) dst(%dma_wait3A_170 : memref<10000x128xf32, #tpu.memory_space<vmem_shared>>)
        tpu.yield
      }) : () -> ()
    }
    %barrier3A_72 = arith.constant 0 : index
    tpu.barrier barrier_id(%barrier3A_72)
    "tpu.trace_stop"() : () -> ()
    "tpu.trace_start"() <{level = 10 : i32, message = "readout_phase"}> : () -> ()
    %mul3A_73 = arith.constant 5 : i32
    %mul3A_74 = arith.muli %arg1, %mul3A_73 : i32
    %add3A_75 = arith.constant 0 : i32
    %add3A_76 = arith.addi %mul3A_74, %add3A_75 : i32
    %lt3A_77 = arith.constant 78 : i32
    %lt3A_78 = arith.cmpi slt, %add3A_76, %lt3A_77 : i32
    %convert_element_type3A_79 = arith.extui %lt3A_78 : i1 to i32
    %cond3A_80 = arith.constant 0 : i32
    %cond3A_81 = arith.cmpi ne, %convert_element_type3A_79, %cond3A_80 : i32
    scf.if %cond3A_81 {
      %mul3A_123 = arith.constant 128 : i32
      %mul3A_124 = arith.muli %add3A_76, %mul3A_123 : i32
      "tpu.region"() ({
        %run_scoped3A = tpu.sem_alloc : memref<!tpu.dma_semaphore, #tpu.memory_space<semaphore_mem>>
        %dma_start3A = arith.constant 0 : i32
        %dma_start3A_127 = tpu.memref_slice %arg6[%mul3A_124, %dma_start3A] : memref<10000x128xf32, #tpu.memory_space<vmem_shared>> -> memref<128x128xf32, #tpu.memory_space<vmem_shared>>
        %dma_start3A_128 = arith.constant 0 : i32
        %dma_start3A_129 = tpu.memref_slice %arg6[%mul3A_124, %dma_start3A_128] : memref<10000x128xf32, #tpu.memory_space<vmem_shared>> -> memref<128x128xf32, #tpu.memory_space<vmem_shared>>
        tpu.enqueue_dma source(%dma_start3A_129 : memref<128x128xf32, #tpu.memory_space<vmem_shared>>) target(%arg8 : memref<128x128xf32, #tpu.memory_space<vmem>>) target_semaphore(%run_scoped3A : memref<!tpu.dma_semaphore, #tpu.memory_space<semaphore_mem>>)
        %dma_wait3A = arith.constant 0 : i32
        %dma_wait3A_130 = tpu.memref_slice %arg6[%mul3A_124, %dma_wait3A] : memref<10000x128xf32, #tpu.memory_space<vmem_shared>> -> memref<128x128xf32, #tpu.memory_space<vmem_shared>>
        %dma_wait3A_131 = arith.constant 0 : i32
        %dma_wait3A_132 = tpu.memref_slice %arg6[%mul3A_124, %dma_wait3A_131] : memref<10000x128xf32, #tpu.memory_space<vmem_shared>> -> memref<128x128xf32, #tpu.memory_space<vmem_shared>>
        tpu.wait_dma2 semaphore(%run_scoped3A : memref<!tpu.dma_semaphore, #tpu.memory_space<semaphore_mem>>) src(%dma_wait3A_132 : memref<128x128xf32, #tpu.memory_space<vmem_shared>>) dst(%arg8 : memref<128x128xf32, #tpu.memory_space<vmem>>)
        tpu.yield
      }) : () -> ()
      %mul3A_125 = arith.constant 128 : i32
      %mul3A_126 = arith.muli %add3A_76, %mul3A_125 : i32
      "tpu.region"() ({
        %run_scoped3A = tpu.sem_alloc : memref<!tpu.dma_semaphore, #tpu.memory_space<semaphore_mem>>
        %dma_start3A = arith.constant 0 : i32
        %dma_start3A_127 = arith.constant 0 : i32
        %dma_start3A_128 = tpu.memref_slice %arg5[%arg0, %dma_start3A, %dma_start3A_127] : memref<2x10000x128xf32, #tpu.memory_space<hbm>> -> memref<1x10000x128xf32, #tpu.memory_space<hbm>>
        %dma_start3A_129 = tpu.memref_squeeze %dma_start3A_128 : memref<1x10000x128xf32, #tpu.memory_space<hbm>> -> memref<10000x128xf32, #tpu.memory_space<hbm>>
        %dma_start3A_130 = arith.constant 0 : i32
        %dma_start3A_131 = tpu.memref_slice %dma_start3A_129[%mul3A_126, %dma_start3A_130] : memref<10000x128xf32, #tpu.memory_space<hbm>> -> memref<128x128xf32, #tpu.memory_space<hbm>>
        %dma_start3A_132 = arith.constant 0 : i32
        %dma_start3A_133 = arith.constant 0 : i32
        %dma_start3A_134 = tpu.memref_slice %arg5[%arg0, %dma_start3A_132, %dma_start3A_133] : memref<2x10000x128xf32, #tpu.memory_space<hbm>> -> memref<1x10000x128xf32, #tpu.memory_space<hbm>>
        %dma_start3A_135 = tpu.memref_squeeze %dma_start3A_134 : memref<1x10000x128xf32, #tpu.memory_space<hbm>> -> memref<10000x128xf32, #tpu.memory_space<hbm>>
        %dma_start3A_136 = arith.constant 0 : i32
        %dma_start3A_137 = tpu.memref_slice %dma_start3A_135[%mul3A_126, %dma_start3A_136] : memref<10000x128xf32, #tpu.memory_space<hbm>> -> memref<128x128xf32, #tpu.memory_space<hbm>>
        tpu.enqueue_dma source(%arg8 : memref<128x128xf32, #tpu.memory_space<vmem>>) target(%dma_start3A_137 : memref<128x128xf32, #tpu.memory_space<hbm>>) target_semaphore(%run_scoped3A : memref<!tpu.dma_semaphore, #tpu.memory_space<semaphore_mem>>)
        %dma_wait3A = arith.constant 0 : i32
        %dma_wait3A_138 = arith.constant 0 : i32
        %dma_wait3A_139 = tpu.memref_slice %arg5[%arg0, %dma_wait3A, %dma_wait3A_138] : memref<2x10000x128xf32, #tpu.memory_space<hbm>> -> memref<1x10000x128xf32, #tpu.memory_space<hbm>>
        %dma_wait3A_140 = tpu.memref_squeeze %dma_wait3A_139 : memref<1x10000x128xf32, #tpu.memory_space<hbm>> -> memref<10000x128xf32, #tpu.memory_space<hbm>>
        %dma_wait3A_141 = arith.constant 0 : i32
        %dma_wait3A_142 = tpu.memref_slice %dma_wait3A_140[%mul3A_126, %dma_wait3A_141] : memref<10000x128xf32, #tpu.memory_space<hbm>> -> memref<128x128xf32, #tpu.memory_space<hbm>>
        %dma_wait3A_143 = arith.constant 0 : i32
        %dma_wait3A_144 = arith.constant 0 : i32
        %dma_wait3A_145 = tpu.memref_slice %arg5[%arg0, %dma_wait3A_143, %dma_wait3A_144] : memref<2x10000x128xf32, #tpu.memory_space<hbm>> -> memref<1x10000x128xf32, #tpu.memory_space<hbm>>
        %dma_wait3A_146 = tpu.memref_squeeze %dma_wait3A_145 : memref<1x10000x128xf32, #tpu.memory_space<hbm>> -> memref<10000x128xf32, #tpu.memory_space<hbm>>
        %dma_wait3A_147 = arith.constant 0 : i32
        %dma_wait3A_148 = tpu.memref_slice %dma_wait3A_146[%mul3A_126, %dma_wait3A_147] : memref<10000x128xf32, #tpu.memory_space<hbm>> -> memref<128x128xf32, #tpu.memory_space<hbm>>
        tpu.wait_dma2 semaphore(%run_scoped3A : memref<!tpu.dma_semaphore, #tpu.memory_space<semaphore_mem>>) src(%arg8 : memref<128x128xf32, #tpu.memory_space<vmem>>) dst(%dma_wait3A_148 : memref<128x128xf32, #tpu.memory_space<hbm>>)
        tpu.yield
      }) : () -> ()
    } else {
    }
    %mul3A_82 = arith.constant 5 : i32
    %mul3A_83 = arith.muli %arg1, %mul3A_82 : i32
    %add3A_84 = arith.constant 1 : i32
    %add3A_85 = arith.addi %mul3A_83, %add3A_84 : i32
    %lt3A_86 = arith.constant 78 : i32
    %lt3A_87 = arith.cmpi slt, %add3A_85, %lt3A_86 : i32
    %convert_element_type3A_88 = arith.extui %lt3A_87 : i1 to i32
    %cond3A_89 = arith.constant 0 : i32
    %cond3A_90 = arith.cmpi ne, %convert_element_type3A_88, %cond3A_89 : i32
    scf.if %cond3A_90 {
      %mul3A_123 = arith.constant 128 : i32
      %mul3A_124 = arith.muli %add3A_85, %mul3A_123 : i32
      "tpu.region"() ({
        %run_scoped3A = tpu.sem_alloc : memref<!tpu.dma_semaphore, #tpu.memory_space<semaphore_mem>>
        %dma_start3A = arith.constant 0 : i32
        %dma_start3A_127 = tpu.memref_slice %arg6[%mul3A_124, %dma_start3A] : memref<10000x128xf32, #tpu.memory_space<vmem_shared>> -> memref<128x128xf32, #tpu.memory_space<vmem_shared>>
        %dma_start3A_128 = arith.constant 0 : i32
        %dma_start3A_129 = tpu.memref_slice %arg6[%mul3A_124, %dma_start3A_128] : memref<10000x128xf32, #tpu.memory_space<vmem_shared>> -> memref<128x128xf32, #tpu.memory_space<vmem_shared>>
        tpu.enqueue_dma source(%dma_start3A_129 : memref<128x128xf32, #tpu.memory_space<vmem_shared>>) target(%arg8 : memref<128x128xf32, #tpu.memory_space<vmem>>) target_semaphore(%run_scoped3A : memref<!tpu.dma_semaphore, #tpu.memory_space<semaphore_mem>>)
        %dma_wait3A = arith.constant 0 : i32
        %dma_wait3A_130 = tpu.memref_slice %arg6[%mul3A_124, %dma_wait3A] : memref<10000x128xf32, #tpu.memory_space<vmem_shared>> -> memref<128x128xf32, #tpu.memory_space<vmem_shared>>
        %dma_wait3A_131 = arith.constant 0 : i32
        %dma_wait3A_132 = tpu.memref_slice %arg6[%mul3A_124, %dma_wait3A_131] : memref<10000x128xf32, #tpu.memory_space<vmem_shared>> -> memref<128x128xf32, #tpu.memory_space<vmem_shared>>
        tpu.wait_dma2 semaphore(%run_scoped3A : memref<!tpu.dma_semaphore, #tpu.memory_space<semaphore_mem>>) src(%dma_wait3A_132 : memref<128x128xf32, #tpu.memory_space<vmem_shared>>) dst(%arg8 : memref<128x128xf32, #tpu.memory_space<vmem>>)
        tpu.yield
      }) : () -> ()
      %mul3A_125 = arith.constant 128 : i32
      %mul3A_126 = arith.muli %add3A_85, %mul3A_125 : i32
      "tpu.region"() ({
        %run_scoped3A = tpu.sem_alloc : memref<!tpu.dma_semaphore, #tpu.memory_space<semaphore_mem>>
        %dma_start3A = arith.constant 0 : i32
        %dma_start3A_127 = arith.constant 0 : i32
        %dma_start3A_128 = tpu.memref_slice %arg5[%arg0, %dma_start3A, %dma_start3A_127] : memref<2x10000x128xf32, #tpu.memory_space<hbm>> -> memref<1x10000x128xf32, #tpu.memory_space<hbm>>
        %dma_start3A_129 = tpu.memref_squeeze %dma_start3A_128 : memref<1x10000x128xf32, #tpu.memory_space<hbm>> -> memref<10000x128xf32, #tpu.memory_space<hbm>>
        %dma_start3A_130 = arith.constant 0 : i32
        %dma_start3A_131 = tpu.memref_slice %dma_start3A_129[%mul3A_126, %dma_start3A_130] : memref<10000x128xf32, #tpu.memory_space<hbm>> -> memref<128x128xf32, #tpu.memory_space<hbm>>
        %dma_start3A_132 = arith.constant 0 : i32
        %dma_start3A_133 = arith.constant 0 : i32
        %dma_start3A_134 = tpu.memref_slice %arg5[%arg0, %dma_start3A_132, %dma_start3A_133] : memref<2x10000x128xf32, #tpu.memory_space<hbm>> -> memref<1x10000x128xf32, #tpu.memory_space<hbm>>
        %dma_start3A_135 = tpu.memref_squeeze %dma_start3A_134 : memref<1x10000x128xf32, #tpu.memory_space<hbm>> -> memref<10000x128xf32, #tpu.memory_space<hbm>>
        %dma_start3A_136 = arith.constant 0 : i32
        %dma_start3A_137 = tpu.memref_slice %dma_start3A_135[%mul3A_126, %dma_start3A_136] : memref<10000x128xf32, #tpu.memory_space<hbm>> -> memref<128x128xf32, #tpu.memory_space<hbm>>
        tpu.enqueue_dma source(%arg8 : memref<128x128xf32, #tpu.memory_space<vmem>>) target(%dma_start3A_137 : memref<128x128xf32, #tpu.memory_space<hbm>>) target_semaphore(%run_scoped3A : memref<!tpu.dma_semaphore, #tpu.memory_space<semaphore_mem>>)
        %dma_wait3A = arith.constant 0 : i32
        %dma_wait3A_138 = arith.constant 0 : i32
        %dma_wait3A_139 = tpu.memref_slice %arg5[%arg0, %dma_wait3A, %dma_wait3A_138] : memref<2x10000x128xf32, #tpu.memory_space<hbm>> -> memref<1x10000x128xf32, #tpu.memory_space<hbm>>
        %dma_wait3A_140 = tpu.memref_squeeze %dma_wait3A_139 : memref<1x10000x128xf32, #tpu.memory_space<hbm>> -> memref<10000x128xf32, #tpu.memory_space<hbm>>
        %dma_wait3A_141 = arith.constant 0 : i32
        %dma_wait3A_142 = tpu.memref_slice %dma_wait3A_140[%mul3A_126, %dma_wait3A_141] : memref<10000x128xf32, #tpu.memory_space<hbm>> -> memref<128x128xf32, #tpu.memory_space<hbm>>
        %dma_wait3A_143 = arith.constant 0 : i32
        %dma_wait3A_144 = arith.constant 0 : i32
        %dma_wait3A_145 = tpu.memref_slice %arg5[%arg0, %dma_wait3A_143, %dma_wait3A_144] : memref<2x10000x128xf32, #tpu.memory_space<hbm>> -> memref<1x10000x128xf32, #tpu.memory_space<hbm>>
        %dma_wait3A_146 = tpu.memref_squeeze %dma_wait3A_145 : memref<1x10000x128xf32, #tpu.memory_space<hbm>> -> memref<10000x128xf32, #tpu.memory_space<hbm>>
        %dma_wait3A_147 = arith.constant 0 : i32
        %dma_wait3A_148 = tpu.memref_slice %dma_wait3A_146[%mul3A_126, %dma_wait3A_147] : memref<10000x128xf32, #tpu.memory_space<hbm>> -> memref<128x128xf32, #tpu.memory_space<hbm>>
        tpu.wait_dma2 semaphore(%run_scoped3A : memref<!tpu.dma_semaphore, #tpu.memory_space<semaphore_mem>>) src(%arg8 : memref<128x128xf32, #tpu.memory_space<vmem>>) dst(%dma_wait3A_148 : memref<128x128xf32, #tpu.memory_space<hbm>>)
        tpu.yield
      }) : () -> ()
    } else {
    }
    %mul3A_91 = arith.constant 5 : i32
    %mul3A_92 = arith.muli %arg1, %mul3A_91 : i32
    %add3A_93 = arith.constant 2 : i32
    %add3A_94 = arith.addi %mul3A_92, %add3A_93 : i32
    %lt3A_95 = arith.constant 78 : i32
    %lt3A_96 = arith.cmpi slt, %add3A_94, %lt3A_95 : i32
    %convert_element_type3A_97 = arith.extui %lt3A_96 : i1 to i32
    %cond3A_98 = arith.constant 0 : i32
    %cond3A_99 = arith.cmpi ne, %convert_element_type3A_97, %cond3A_98 : i32
    scf.if %cond3A_99 {
      %mul3A_123 = arith.constant 128 : i32
      %mul3A_124 = arith.muli %add3A_94, %mul3A_123 : i32
      "tpu.region"() ({
        %run_scoped3A = tpu.sem_alloc : memref<!tpu.dma_semaphore, #tpu.memory_space<semaphore_mem>>
        %dma_start3A = arith.constant 0 : i32
        %dma_start3A_127 = tpu.memref_slice %arg6[%mul3A_124, %dma_start3A] : memref<10000x128xf32, #tpu.memory_space<vmem_shared>> -> memref<128x128xf32, #tpu.memory_space<vmem_shared>>
        %dma_start3A_128 = arith.constant 0 : i32
        %dma_start3A_129 = tpu.memref_slice %arg6[%mul3A_124, %dma_start3A_128] : memref<10000x128xf32, #tpu.memory_space<vmem_shared>> -> memref<128x128xf32, #tpu.memory_space<vmem_shared>>
        tpu.enqueue_dma source(%dma_start3A_129 : memref<128x128xf32, #tpu.memory_space<vmem_shared>>) target(%arg8 : memref<128x128xf32, #tpu.memory_space<vmem>>) target_semaphore(%run_scoped3A : memref<!tpu.dma_semaphore, #tpu.memory_space<semaphore_mem>>)
        %dma_wait3A = arith.constant 0 : i32
        %dma_wait3A_130 = tpu.memref_slice %arg6[%mul3A_124, %dma_wait3A] : memref<10000x128xf32, #tpu.memory_space<vmem_shared>> -> memref<128x128xf32, #tpu.memory_space<vmem_shared>>
        %dma_wait3A_131 = arith.constant 0 : i32
        %dma_wait3A_132 = tpu.memref_slice %arg6[%mul3A_124, %dma_wait3A_131] : memref<10000x128xf32, #tpu.memory_space<vmem_shared>> -> memref<128x128xf32, #tpu.memory_space<vmem_shared>>
        tpu.wait_dma2 semaphore(%run_scoped3A : memref<!tpu.dma_semaphore, #tpu.memory_space<semaphore_mem>>) src(%dma_wait3A_132 : memref<128x128xf32, #tpu.memory_space<vmem_shared>>) dst(%arg8 : memref<128x128xf32, #tpu.memory_space<vmem>>)
        tpu.yield
      }) : () -> ()
      %mul3A_125 = arith.constant 128 : i32
      %mul3A_126 = arith.muli %add3A_94, %mul3A_125 : i32
      "tpu.region"() ({
        %run_scoped3A = tpu.sem_alloc : memref<!tpu.dma_semaphore, #tpu.memory_space<semaphore_mem>>
        %dma_start3A = arith.constant 0 : i32
        %dma_start3A_127 = arith.constant 0 : i32
        %dma_start3A_128 = tpu.memref_slice %arg5[%arg0, %dma_start3A, %dma_start3A_127] : memref<2x10000x128xf32, #tpu.memory_space<hbm>> -> memref<1x10000x128xf32, #tpu.memory_space<hbm>>
        %dma_start3A_129 = tpu.memref_squeeze %dma_start3A_128 : memref<1x10000x128xf32, #tpu.memory_space<hbm>> -> memref<10000x128xf32, #tpu.memory_space<hbm>>
        %dma_start3A_130 = arith.constant 0 : i32
        %dma_start3A_131 = tpu.memref_slice %dma_start3A_129[%mul3A_126, %dma_start3A_130] : memref<10000x128xf32, #tpu.memory_space<hbm>> -> memref<128x128xf32, #tpu.memory_space<hbm>>
        %dma_start3A_132 = arith.constant 0 : i32
        %dma_start3A_133 = arith.constant 0 : i32
        %dma_start3A_134 = tpu.memref_slice %arg5[%arg0, %dma_start3A_132, %dma_start3A_133] : memref<2x10000x128xf32, #tpu.memory_space<hbm>> -> memref<1x10000x128xf32, #tpu.memory_space<hbm>>
        %dma_start3A_135 = tpu.memref_squeeze %dma_start3A_134 : memref<1x10000x128xf32, #tpu.memory_space<hbm>> -> memref<10000x128xf32, #tpu.memory_space<hbm>>
        %dma_start3A_136 = arith.constant 0 : i32
        %dma_start3A_137 = tpu.memref_slice %dma_start3A_135[%mul3A_126, %dma_start3A_136] : memref<10000x128xf32, #tpu.memory_space<hbm>> -> memref<128x128xf32, #tpu.memory_space<hbm>>
        tpu.enqueue_dma source(%arg8 : memref<128x128xf32, #tpu.memory_space<vmem>>) target(%dma_start3A_137 : memref<128x128xf32, #tpu.memory_space<hbm>>) target_semaphore(%run_scoped3A : memref<!tpu.dma_semaphore, #tpu.memory_space<semaphore_mem>>)
        %dma_wait3A = arith.constant 0 : i32
        %dma_wait3A_138 = arith.constant 0 : i32
        %dma_wait3A_139 = tpu.memref_slice %arg5[%arg0, %dma_wait3A, %dma_wait3A_138] : memref<2x10000x128xf32, #tpu.memory_space<hbm>> -> memref<1x10000x128xf32, #tpu.memory_space<hbm>>
        %dma_wait3A_140 = tpu.memref_squeeze %dma_wait3A_139 : memref<1x10000x128xf32, #tpu.memory_space<hbm>> -> memref<10000x128xf32, #tpu.memory_space<hbm>>
        %dma_wait3A_141 = arith.constant 0 : i32
        %dma_wait3A_142 = tpu.memref_slice %dma_wait3A_140[%mul3A_126, %dma_wait3A_141] : memref<10000x128xf32, #tpu.memory_space<hbm>> -> memref<128x128xf32, #tpu.memory_space<hbm>>
        %dma_wait3A_143 = arith.constant 0 : i32
        %dma_wait3A_144 = arith.constant 0 : i32
        %dma_wait3A_145 = tpu.memref_slice %arg5[%arg0, %dma_wait3A_143, %dma_wait3A_144] : memref<2x10000x128xf32, #tpu.memory_space<hbm>> -> memref<1x10000x128xf32, #tpu.memory_space<hbm>>
        %dma_wait3A_146 = tpu.memref_squeeze %dma_wait3A_145 : memref<1x10000x128xf32, #tpu.memory_space<hbm>> -> memref<10000x128xf32, #tpu.memory_space<hbm>>
        %dma_wait3A_147 = arith.constant 0 : i32
        %dma_wait3A_148 = tpu.memref_slice %dma_wait3A_146[%mul3A_126, %dma_wait3A_147] : memref<10000x128xf32, #tpu.memory_space<hbm>> -> memref<128x128xf32, #tpu.memory_space<hbm>>
        tpu.wait_dma2 semaphore(%run_scoped3A : memref<!tpu.dma_semaphore, #tpu.memory_space<semaphore_mem>>) src(%arg8 : memref<128x128xf32, #tpu.memory_space<vmem>>) dst(%dma_wait3A_148 : memref<128x128xf32, #tpu.memory_space<hbm>>)
        tpu.yield
      }) : () -> ()
    } else {
    }
    %mul3A_100 = arith.constant 5 : i32
    %mul3A_101 = arith.muli %arg1, %mul3A_100 : i32
    %add3A_102 = arith.constant 3 : i32
    %add3A_103 = arith.addi %mul3A_101, %add3A_102 : i32
    %lt3A_104 = arith.constant 78 : i32
    %lt3A_105 = arith.cmpi slt, %add3A_103, %lt3A_104 : i32
    %convert_element_type3A_106 = arith.extui %lt3A_105 : i1 to i32
    %cond3A_107 = arith.constant 0 : i32
    %cond3A_108 = arith.cmpi ne, %convert_element_type3A_106, %cond3A_107 : i32
    scf.if %cond3A_108 {
      %mul3A_123 = arith.constant 128 : i32
      %mul3A_124 = arith.muli %add3A_103, %mul3A_123 : i32
      "tpu.region"() ({
        %run_scoped3A = tpu.sem_alloc : memref<!tpu.dma_semaphore, #tpu.memory_space<semaphore_mem>>
        %dma_start3A = arith.constant 0 : i32
        %dma_start3A_127 = tpu.memref_slice %arg6[%mul3A_124, %dma_start3A] : memref<10000x128xf32, #tpu.memory_space<vmem_shared>> -> memref<128x128xf32, #tpu.memory_space<vmem_shared>>
        %dma_start3A_128 = arith.constant 0 : i32
        %dma_start3A_129 = tpu.memref_slice %arg6[%mul3A_124, %dma_start3A_128] : memref<10000x128xf32, #tpu.memory_space<vmem_shared>> -> memref<128x128xf32, #tpu.memory_space<vmem_shared>>
        tpu.enqueue_dma source(%dma_start3A_129 : memref<128x128xf32, #tpu.memory_space<vmem_shared>>) target(%arg8 : memref<128x128xf32, #tpu.memory_space<vmem>>) target_semaphore(%run_scoped3A : memref<!tpu.dma_semaphore, #tpu.memory_space<semaphore_mem>>)
        %dma_wait3A = arith.constant 0 : i32
        %dma_wait3A_130 = tpu.memref_slice %arg6[%mul3A_124, %dma_wait3A] : memref<10000x128xf32, #tpu.memory_space<vmem_shared>> -> memref<128x128xf32, #tpu.memory_space<vmem_shared>>
        %dma_wait3A_131 = arith.constant 0 : i32
        %dma_wait3A_132 = tpu.memref_slice %arg6[%mul3A_124, %dma_wait3A_131] : memref<10000x128xf32, #tpu.memory_space<vmem_shared>> -> memref<128x128xf32, #tpu.memory_space<vmem_shared>>
        tpu.wait_dma2 semaphore(%run_scoped3A : memref<!tpu.dma_semaphore, #tpu.memory_space<semaphore_mem>>) src(%dma_wait3A_132 : memref<128x128xf32, #tpu.memory_space<vmem_shared>>) dst(%arg8 : memref<128x128xf32, #tpu.memory_space<vmem>>)
        tpu.yield
      }) : () -> ()
      %mul3A_125 = arith.constant 128 : i32
      %mul3A_126 = arith.muli %add3A_103, %mul3A_125 : i32
      "tpu.region"() ({
        %run_scoped3A = tpu.sem_alloc : memref<!tpu.dma_semaphore, #tpu.memory_space<semaphore_mem>>
        %dma_start3A = arith.constant 0 : i32
        %dma_start3A_127 = arith.constant 0 : i32
        %dma_start3A_128 = tpu.memref_slice %arg5[%arg0, %dma_start3A, %dma_start3A_127] : memref<2x10000x128xf32, #tpu.memory_space<hbm>> -> memref<1x10000x128xf32, #tpu.memory_space<hbm>>
        %dma_start3A_129 = tpu.memref_squeeze %dma_start3A_128 : memref<1x10000x128xf32, #tpu.memory_space<hbm>> -> memref<10000x128xf32, #tpu.memory_space<hbm>>
        %dma_start3A_130 = arith.constant 0 : i32
        %dma_start3A_131 = tpu.memref_slice %dma_start3A_129[%mul3A_126, %dma_start3A_130] : memref<10000x128xf32, #tpu.memory_space<hbm>> -> memref<128x128xf32, #tpu.memory_space<hbm>>
        %dma_start3A_132 = arith.constant 0 : i32
        %dma_start3A_133 = arith.constant 0 : i32
        %dma_start3A_134 = tpu.memref_slice %arg5[%arg0, %dma_start3A_132, %dma_start3A_133] : memref<2x10000x128xf32, #tpu.memory_space<hbm>> -> memref<1x10000x128xf32, #tpu.memory_space<hbm>>
        %dma_start3A_135 = tpu.memref_squeeze %dma_start3A_134 : memref<1x10000x128xf32, #tpu.memory_space<hbm>> -> memref<10000x128xf32, #tpu.memory_space<hbm>>
        %dma_start3A_136 = arith.constant 0 : i32
        %dma_start3A_137 = tpu.memref_slice %dma_start3A_135[%mul3A_126, %dma_start3A_136] : memref<10000x128xf32, #tpu.memory_space<hbm>> -> memref<128x128xf32, #tpu.memory_space<hbm>>
        tpu.enqueue_dma source(%arg8 : memref<128x128xf32, #tpu.memory_space<vmem>>) target(%dma_start3A_137 : memref<128x128xf32, #tpu.memory_space<hbm>>) target_semaphore(%run_scoped3A : memref<!tpu.dma_semaphore, #tpu.memory_space<semaphore_mem>>)
        %dma_wait3A = arith.constant 0 : i32
        %dma_wait3A_138 = arith.constant 0 : i32
        %dma_wait3A_139 = tpu.memref_slice %arg5[%arg0, %dma_wait3A, %dma_wait3A_138] : memref<2x10000x128xf32, #tpu.memory_space<hbm>> -> memref<1x10000x128xf32, #tpu.memory_space<hbm>>
        %dma_wait3A_140 = tpu.memref_squeeze %dma_wait3A_139 : memref<1x10000x128xf32, #tpu.memory_space<hbm>> -> memref<10000x128xf32, #tpu.memory_space<hbm>>
        %dma_wait3A_141 = arith.constant 0 : i32
        %dma_wait3A_142 = tpu.memref_slice %dma_wait3A_140[%mul3A_126, %dma_wait3A_141] : memref<10000x128xf32, #tpu.memory_space<hbm>> -> memref<128x128xf32, #tpu.memory_space<hbm>>
        %dma_wait3A_143 = arith.constant 0 : i32
        %dma_wait3A_144 = arith.constant 0 : i32
        %dma_wait3A_145 = tpu.memref_slice %arg5[%arg0, %dma_wait3A_143, %dma_wait3A_144] : memref<2x10000x128xf32, #tpu.memory_space<hbm>> -> memref<1x10000x128xf32, #tpu.memory_space<hbm>>
        %dma_wait3A_146 = tpu.memref_squeeze %dma_wait3A_145 : memref<1x10000x128xf32, #tpu.memory_space<hbm>> -> memref<10000x128xf32, #tpu.memory_space<hbm>>
        %dma_wait3A_147 = arith.constant 0 : i32
        %dma_wait3A_148 = tpu.memref_slice %dma_wait3A_146[%mul3A_126, %dma_wait3A_147] : memref<10000x128xf32, #tpu.memory_space<hbm>> -> memref<128x128xf32, #tpu.memory_space<hbm>>
        tpu.wait_dma2 semaphore(%run_scoped3A : memref<!tpu.dma_semaphore, #tpu.memory_space<semaphore_mem>>) src(%arg8 : memref<128x128xf32, #tpu.memory_space<vmem>>) dst(%dma_wait3A_148 : memref<128x128xf32, #tpu.memory_space<hbm>>)
        tpu.yield
      }) : () -> ()
    } else {
    }
    %mul3A_109 = arith.constant 5 : i32
    %mul3A_110 = arith.muli %arg1, %mul3A_109 : i32
    %add3A_111 = arith.constant 4 : i32
    %add3A_112 = arith.addi %mul3A_110, %add3A_111 : i32
    %lt3A_113 = arith.constant 78 : i32
    %lt3A_114 = arith.cmpi slt, %add3A_112, %lt3A_113 : i32
    %convert_element_type3A_115 = arith.extui %lt3A_114 : i1 to i32
    %cond3A_116 = arith.constant 0 : i32
    %cond3A_117 = arith.cmpi ne, %convert_element_type3A_115, %cond3A_116 : i32
    scf.if %cond3A_117 {
      %mul3A_123 = arith.constant 128 : i32
      %mul3A_124 = arith.muli %add3A_112, %mul3A_123 : i32
      "tpu.region"() ({
        %run_scoped3A = tpu.sem_alloc : memref<!tpu.dma_semaphore, #tpu.memory_space<semaphore_mem>>
        %dma_start3A = arith.constant 0 : i32
        %dma_start3A_127 = tpu.memref_slice %arg6[%mul3A_124, %dma_start3A] : memref<10000x128xf32, #tpu.memory_space<vmem_shared>> -> memref<128x128xf32, #tpu.memory_space<vmem_shared>>
        %dma_start3A_128 = arith.constant 0 : i32
        %dma_start3A_129 = tpu.memref_slice %arg6[%mul3A_124, %dma_start3A_128] : memref<10000x128xf32, #tpu.memory_space<vmem_shared>> -> memref<128x128xf32, #tpu.memory_space<vmem_shared>>
        tpu.enqueue_dma source(%dma_start3A_129 : memref<128x128xf32, #tpu.memory_space<vmem_shared>>) target(%arg8 : memref<128x128xf32, #tpu.memory_space<vmem>>) target_semaphore(%run_scoped3A : memref<!tpu.dma_semaphore, #tpu.memory_space<semaphore_mem>>)
        %dma_wait3A = arith.constant 0 : i32
        %dma_wait3A_130 = tpu.memref_slice %arg6[%mul3A_124, %dma_wait3A] : memref<10000x128xf32, #tpu.memory_space<vmem_shared>> -> memref<128x128xf32, #tpu.memory_space<vmem_shared>>
        %dma_wait3A_131 = arith.constant 0 : i32
        %dma_wait3A_132 = tpu.memref_slice %arg6[%mul3A_124, %dma_wait3A_131] : memref<10000x128xf32, #tpu.memory_space<vmem_shared>> -> memref<128x128xf32, #tpu.memory_space<vmem_shared>>
        tpu.wait_dma2 semaphore(%run_scoped3A : memref<!tpu.dma_semaphore, #tpu.memory_space<semaphore_mem>>) src(%dma_wait3A_132 : memref<128x128xf32, #tpu.memory_space<vmem_shared>>) dst(%arg8 : memref<128x128xf32, #tpu.memory_space<vmem>>)
        tpu.yield
      }) : () -> ()
      %mul3A_125 = arith.constant 128 : i32
      %mul3A_126 = arith.muli %add3A_112, %mul3A_125 : i32
      "tpu.region"() ({
        %run_scoped3A = tpu.sem_alloc : memref<!tpu.dma_semaphore, #tpu.memory_space<semaphore_mem>>
        %dma_start3A = arith.constant 0 : i32
        %dma_start3A_127 = arith.constant 0 : i32
        %dma_start3A_128 = tpu.memref_slice %arg5[%arg0, %dma_start3A, %dma_start3A_127] : memref<2x10000x128xf32, #tpu.memory_space<hbm>> -> memref<1x10000x128xf32, #tpu.memory_space<hbm>>
        %dma_start3A_129 = tpu.memref_squeeze %dma_start3A_128 : memref<1x10000x128xf32, #tpu.memory_space<hbm>> -> memref<10000x128xf32, #tpu.memory_space<hbm>>
        %dma_start3A_130 = arith.constant 0 : i32
        %dma_start3A_131 = tpu.memref_slice %dma_start3A_129[%mul3A_126, %dma_start3A_130] : memref<10000x128xf32, #tpu.memory_space<hbm>> -> memref<128x128xf32, #tpu.memory_space<hbm>>
        %dma_start3A_132 = arith.constant 0 : i32
        %dma_start3A_133 = arith.constant 0 : i32
        %dma_start3A_134 = tpu.memref_slice %arg5[%arg0, %dma_start3A_132, %dma_start3A_133] : memref<2x10000x128xf32, #tpu.memory_space<hbm>> -> memref<1x10000x128xf32, #tpu.memory_space<hbm>>
        %dma_start3A_135 = tpu.memref_squeeze %dma_start3A_134 : memref<1x10000x128xf32, #tpu.memory_space<hbm>> -> memref<10000x128xf32, #tpu.memory_space<hbm>>
        %dma_start3A_136 = arith.constant 0 : i32
        %dma_start3A_137 = tpu.memref_slice %dma_start3A_135[%mul3A_126, %dma_start3A_136] : memref<10000x128xf32, #tpu.memory_space<hbm>> -> memref<128x128xf32, #tpu.memory_space<hbm>>
        tpu.enqueue_dma source(%arg8 : memref<128x128xf32, #tpu.memory_space<vmem>>) target(%dma_start3A_137 : memref<128x128xf32, #tpu.memory_space<hbm>>) target_semaphore(%run_scoped3A : memref<!tpu.dma_semaphore, #tpu.memory_space<semaphore_mem>>)
        %dma_wait3A = arith.constant 0 : i32
        %dma_wait3A_138 = arith.constant 0 : i32
        %dma_wait3A_139 = tpu.memref_slice %arg5[%arg0, %dma_wait3A, %dma_wait3A_138] : memref<2x10000x128xf32, #tpu.memory_space<hbm>> -> memref<1x10000x128xf32, #tpu.memory_space<hbm>>
        %dma_wait3A_140 = tpu.memref_squeeze %dma_wait3A_139 : memref<1x10000x128xf32, #tpu.memory_space<hbm>> -> memref<10000x128xf32, #tpu.memory_space<hbm>>
        %dma_wait3A_141 = arith.constant 0 : i32
        %dma_wait3A_142 = tpu.memref_slice %dma_wait3A_140[%mul3A_126, %dma_wait3A_141] : memref<10000x128xf32, #tpu.memory_space<hbm>> -> memref<128x128xf32, #tpu.memory_space<hbm>>
        %dma_wait3A_143 = arith.constant 0 : i32
        %dma_wait3A_144 = arith.constant 0 : i32
        %dma_wait3A_145 = tpu.memref_slice %arg5[%arg0, %dma_wait3A_143, %dma_wait3A_144] : memref<2x10000x128xf32, #tpu.memory_space<hbm>> -> memref<1x10000x128xf32, #tpu.memory_space<hbm>>
        %dma_wait3A_146 = tpu.memref_squeeze %dma_wait3A_145 : memref<1x10000x128xf32, #tpu.memory_space<hbm>> -> memref<10000x128xf32, #tpu.memory_space<hbm>>
        %dma_wait3A_147 = arith.constant 0 : i32
        %dma_wait3A_148 = tpu.memref_slice %dma_wait3A_146[%mul3A_126, %dma_wait3A_147] : memref<10000x128xf32, #tpu.memory_space<hbm>> -> memref<128x128xf32, #tpu.memory_space<hbm>>
        tpu.wait_dma2 semaphore(%run_scoped3A : memref<!tpu.dma_semaphore, #tpu.memory_space<semaphore_mem>>) src(%arg8 : memref<128x128xf32, #tpu.memory_space<vmem>>) dst(%dma_wait3A_148 : memref<128x128xf32, #tpu.memory_space<hbm>>)
        tpu.yield
      }) : () -> ()
    } else {
    }
    %eq3A_118 = arith.constant 15 : i32
    %eq3A_119 = arith.cmpi eq, %arg1, %eq3A_118 : i32
    %convert_element_type3A_120 = arith.extui %eq3A_119 : i1 to i32
    %cond3A_121 = arith.constant 0 : i32
    %cond3A_122 = arith.cmpi ne, %convert_element_type3A_120, %cond3A_121 : i32
    scf.if %cond3A_122 {
      "tpu.region"() ({
        %run_scoped3A = tpu.sem_alloc : memref<!tpu.dma_semaphore, #tpu.memory_space<semaphore_mem>>
        %dma_start3A = arith.constant 0 : i32
        %dma_start3A_123 = arith.constant 0 : i32
        %dma_start3A_124 = tpu.memref_slice %arg9[%dma_start3A, %dma_start3A_123] : memref<128x128xf32, #tpu.memory_space<vmem>> -> memref<16x128xf32, #tpu.memory_space<vmem>>
        %dma_start3A_125 = arith.constant 9984 : i32
        %dma_start3A_126 = arith.constant 0 : i32
        %dma_start3A_127 = tpu.memref_slice %arg6[%dma_start3A_125, %dma_start3A_126] : memref<10000x128xf32, #tpu.memory_space<vmem_shared>> -> memref<16x128xf32, #tpu.memory_space<vmem_shared>>
        %dma_start3A_128 = arith.constant 0 : i32
        %dma_start3A_129 = arith.constant 0 : i32
        %dma_start3A_130 = tpu.memref_slice %arg9[%dma_start3A_128, %dma_start3A_129] : memref<128x128xf32, #tpu.memory_space<vmem>> -> memref<16x128xf32, #tpu.memory_space<vmem>>
        %dma_start3A_131 = arith.constant 9984 : i32
        %dma_start3A_132 = arith.constant 0 : i32
        %dma_start3A_133 = tpu.memref_slice %arg6[%dma_start3A_131, %dma_start3A_132] : memref<10000x128xf32, #tpu.memory_space<vmem_shared>> -> memref<16x128xf32, #tpu.memory_space<vmem_shared>>
        tpu.enqueue_dma source(%dma_start3A_133 : memref<16x128xf32, #tpu.memory_space<vmem_shared>>) target(%dma_start3A_130 : memref<16x128xf32, #tpu.memory_space<vmem>>) target_semaphore(%run_scoped3A : memref<!tpu.dma_semaphore, #tpu.memory_space<semaphore_mem>>)
        %dma_wait3A = arith.constant 0 : i32
        %dma_wait3A_134 = arith.constant 0 : i32
        %dma_wait3A_135 = tpu.memref_slice %arg9[%dma_wait3A, %dma_wait3A_134] : memref<128x128xf32, #tpu.memory_space<vmem>> -> memref<16x128xf32, #tpu.memory_space<vmem>>
        %dma_wait3A_136 = arith.constant 9984 : i32
        %dma_wait3A_137 = arith.constant 0 : i32
        %dma_wait3A_138 = tpu.memref_slice %arg6[%dma_wait3A_136, %dma_wait3A_137] : memref<10000x128xf32, #tpu.memory_space<vmem_shared>> -> memref<16x128xf32, #tpu.memory_space<vmem_shared>>
        %dma_wait3A_139 = arith.constant 0 : i32
        %dma_wait3A_140 = arith.constant 0 : i32
        %dma_wait3A_141 = tpu.memref_slice %arg9[%dma_wait3A_139, %dma_wait3A_140] : memref<128x128xf32, #tpu.memory_space<vmem>> -> memref<16x128xf32, #tpu.memory_space<vmem>>
        %dma_wait3A_142 = arith.constant 9984 : i32
        %dma_wait3A_143 = arith.constant 0 : i32
        %dma_wait3A_144 = tpu.memref_slice %arg6[%dma_wait3A_142, %dma_wait3A_143] : memref<10000x128xf32, #tpu.memory_space<vmem_shared>> -> memref<16x128xf32, #tpu.memory_space<vmem_shared>>
        tpu.wait_dma2 semaphore(%run_scoped3A : memref<!tpu.dma_semaphore, #tpu.memory_space<semaphore_mem>>) src(%dma_wait3A_144 : memref<16x128xf32, #tpu.memory_space<vmem_shared>>) dst(%dma_wait3A_141 : memref<16x128xf32, #tpu.memory_space<vmem>>)
        tpu.yield
      }) : () -> ()
      "tpu.region"() ({
        %run_scoped3A = tpu.sem_alloc : memref<!tpu.dma_semaphore, #tpu.memory_space<semaphore_mem>>
        %dma_start3A = arith.constant 0 : i32
        %dma_start3A_123 = arith.constant 0 : i32
        %dma_start3A_124 = tpu.memref_slice %arg9[%dma_start3A, %dma_start3A_123] : memref<128x128xf32, #tpu.memory_space<vmem>> -> memref<16x128xf32, #tpu.memory_space<vmem>>
        %dma_start3A_125 = arith.constant 0 : i32
        %dma_start3A_126 = arith.constant 0 : i32
        %dma_start3A_127 = tpu.memref_slice %arg5[%arg0, %dma_start3A_125, %dma_start3A_126] : memref<2x10000x128xf32, #tpu.memory_space<hbm>> -> memref<1x10000x128xf32, #tpu.memory_space<hbm>>
        %dma_start3A_128 = tpu.memref_squeeze %dma_start3A_127 : memref<1x10000x128xf32, #tpu.memory_space<hbm>> -> memref<10000x128xf32, #tpu.memory_space<hbm>>
        %dma_start3A_129 = arith.constant 9984 : i32
        %dma_start3A_130 = arith.constant 0 : i32
        %dma_start3A_131 = tpu.memref_slice %dma_start3A_128[%dma_start3A_129, %dma_start3A_130] : memref<10000x128xf32, #tpu.memory_space<hbm>> -> memref<16x128xf32, #tpu.memory_space<hbm>>
        %dma_start3A_132 = arith.constant 0 : i32
        %dma_start3A_133 = arith.constant 0 : i32
        %dma_start3A_134 = tpu.memref_slice %arg5[%arg0, %dma_start3A_132, %dma_start3A_133] : memref<2x10000x128xf32, #tpu.memory_space<hbm>> -> memref<1x10000x128xf32, #tpu.memory_space<hbm>>
        %dma_start3A_135 = tpu.memref_squeeze %dma_start3A_134 : memref<1x10000x128xf32, #tpu.memory_space<hbm>> -> memref<10000x128xf32, #tpu.memory_space<hbm>>
        %dma_start3A_136 = arith.constant 9984 : i32
        %dma_start3A_137 = arith.constant 0 : i32
        %dma_start3A_138 = tpu.memref_slice %dma_start3A_135[%dma_start3A_136, %dma_start3A_137] : memref<10000x128xf32, #tpu.memory_space<hbm>> -> memref<16x128xf32, #tpu.memory_space<hbm>>
        %dma_start3A_139 = arith.constant 0 : i32
        %dma_start3A_140 = arith.constant 0 : i32
        %dma_start3A_141 = tpu.memref_slice %arg9[%dma_start3A_139, %dma_start3A_140] : memref<128x128xf32, #tpu.memory_space<vmem>> -> memref<16x128xf32, #tpu.memory_space<vmem>>
        tpu.enqueue_dma source(%dma_start3A_141 : memref<16x128xf32, #tpu.memory_space<vmem>>) target(%dma_start3A_138 : memref<16x128xf32, #tpu.memory_space<hbm>>) target_semaphore(%run_scoped3A : memref<!tpu.dma_semaphore, #tpu.memory_space<semaphore_mem>>)
        %dma_wait3A = arith.constant 0 : i32
        %dma_wait3A_142 = arith.constant 0 : i32
        %dma_wait3A_143 = tpu.memref_slice %arg9[%dma_wait3A, %dma_wait3A_142] : memref<128x128xf32, #tpu.memory_space<vmem>> -> memref<16x128xf32, #tpu.memory_space<vmem>>
        %dma_wait3A_144 = arith.constant 0 : i32
        %dma_wait3A_145 = arith.constant 0 : i32
        %dma_wait3A_146 = tpu.memref_slice %arg5[%arg0, %dma_wait3A_144, %dma_wait3A_145] : memref<2x10000x128xf32, #tpu.memory_space<hbm>> -> memref<1x10000x128xf32, #tpu.memory_space<hbm>>
        %dma_wait3A_147 = tpu.memref_squeeze %dma_wait3A_146 : memref<1x10000x128xf32, #tpu.memory_space<hbm>> -> memref<10000x128xf32, #tpu.memory_space<hbm>>
        %dma_wait3A_148 = arith.constant 9984 : i32
        %dma_wait3A_149 = arith.constant 0 : i32
        %dma_wait3A_150 = tpu.memref_slice %dma_wait3A_147[%dma_wait3A_148, %dma_wait3A_149] : memref<10000x128xf32, #tpu.memory_space<hbm>> -> memref<16x128xf32, #tpu.memory_space<hbm>>
        %dma_wait3A_151 = arith.constant 0 : i32
        %dma_wait3A_152 = arith.constant 0 : i32
        %dma_wait3A_153 = tpu.memref_slice %arg5[%arg0, %dma_wait3A_151, %dma_wait3A_152] : memref<2x10000x128xf32, #tpu.memory_space<hbm>> -> memref<1x10000x128xf32, #tpu.memory_space<hbm>>
        %dma_wait3A_154 = tpu.memref_squeeze %dma_wait3A_153 : memref<1x10000x128xf32, #tpu.memory_space<hbm>> -> memref<10000x128xf32, #tpu.memory_space<hbm>>
        %dma_wait3A_155 = arith.constant 9984 : i32
        %dma_wait3A_156 = arith.constant 0 : i32
        %dma_wait3A_157 = tpu.memref_slice %dma_wait3A_154[%dma_wait3A_155, %dma_wait3A_156] : memref<10000x128xf32, #tpu.memory_space<hbm>> -> memref<16x128xf32, #tpu.memory_space<hbm>>
        %dma_wait3A_158 = arith.constant 0 : i32
        %dma_wait3A_159 = arith.constant 0 : i32
        %dma_wait3A_160 = tpu.memref_slice %arg9[%dma_wait3A_158, %dma_wait3A_159] : memref<128x128xf32, #tpu.memory_space<vmem>> -> memref<16x128xf32, #tpu.memory_space<vmem>>
        tpu.wait_dma2 semaphore(%run_scoped3A : memref<!tpu.dma_semaphore, #tpu.memory_space<semaphore_mem>>) src(%dma_wait3A_160 : memref<16x128xf32, #tpu.memory_space<vmem>>) dst(%dma_wait3A_157 : memref<16x128xf32, #tpu.memory_space<hbm>>)
        tpu.yield
      }) : () -> ()
    } else {
    }
    "tpu.trace_stop"() : () -> ()
    return
  }
}

module attributes {stable_mosaic.version = 14 : i64} {
  func.func @_tc_body(%arg0: i32, %arg1: memref<2x2000x128xf32, #tpu.memory_space<vmem>>, %arg2: memref<2000x128xf32, #tpu.memory_space<vmem>>, %arg3: memref<1x1x2000xi32, #tpu.memory_space<vmem>>, %arg4: memref<128x128xf32, #tpu.memory_space<vmem>>, %arg5: memref<128x128xf32, #tpu.memory_space<vmem>>, %arg6: memref<1x128xf32, #tpu.memory_space<vmem>>, %arg7: memref<64x128xf32, #tpu.memory_space<vmem>>) attributes {dimension_semantics = [#tpu.dimension_semantics<arbitrary>], iteration_bounds = array<i64: 5>, scalar_prefetch = 0 : i64, scratch_operands = 0 : i64, tpu.core_type = #tpu.core_type<tc>, window_params = [{transform_indices = @transform_0, window_bounds = array<i64: 2, 2000, 128>}, {transform_indices = @transform_1, window_bounds = array<i64: 2000, 128>}, {transform_indices = @transform_2, window_bounds = array<i64: 1, 1, 2000>}, {pipeline_mode = #tpu.pipeline_mode<synchronous>, transform_indices = @transform_3, window_bounds = array<i64: 128, 128>}, {pipeline_mode = #tpu.pipeline_mode<synchronous>, transform_indices = @transform_4, window_bounds = array<i64: 128, 128>}, {pipeline_mode = #tpu.pipeline_mode<synchronous>, transform_indices = @transform_5, window_bounds = array<i64: 1, 128>}, {pipeline_mode = #tpu.pipeline_mode<synchronous>, transform_indices = @transform_6, window_bounds = array<i64: 64, 128>}]} {
    %eq3A = arith.constant 0 : i32
    %eq3A_0 = arith.cmpi eq, %arg0, %eq3A : i32
    %convert_element_type3A = arith.extui %eq3A_0 : i1 to i32
    %cond3A = arith.constant 0 : i32
    %cond3A_1 = arith.cmpi ne, %convert_element_type3A, %cond3A : i32
    scf.if %cond3A_1 {
      %broadcast_in_dim3A_48 = arith.constant 0.000000e+00 : f32
      %broadcast_in_dim3A_49 = vector.broadcast %broadcast_in_dim3A_48 : f32 to vector<64x128xf32>
      %swap3A_50 = arith.constant 0 : index
      %swap3A_51 = arith.constant 0 : index
      %swap3A_52 = vector.load %arg7[%swap3A_50, %swap3A_51] : memref<64x128xf32, #tpu.memory_space<vmem>>, vector<64x128xf32>
      tpu.vector_store %arg7[%swap3A_50, %swap3A_51], %broadcast_in_dim3A_49 {strides = array<i32>} : memref<64x128xf32, #tpu.memory_space<vmem>>, vector<64x128xf32>,
    } else {
    }
    %get3A = arith.constant 0 : index
    %get3A_2 = arith.constant 0 : index
    %get3A_3 = arith.constant 0 : index
    %get3A_4 = vector.load %arg1[%get3A, %get3A_2, %get3A_3] : memref<2x2000x128xf32, #tpu.memory_space<vmem>>, vector<1x2000x128xf32>
    %get3A_5 = vector.shape_cast %get3A_4 : vector<1x2000x128xf32> to vector<2000x128xf32>
    %get3A_6 = arith.constant 1 : index
    %get3A_7 = arith.constant 0 : index
    %get3A_8 = arith.constant 0 : index
    %get3A_9 = vector.load %arg1[%get3A_6, %get3A_7, %get3A_8] : memref<2x2000x128xf32, #tpu.memory_space<vmem>>, vector<1x2000x128xf32>
    %get3A_10 = vector.shape_cast %get3A_9 : vector<1x2000x128xf32> to vector<2000x128xf32>
    %add3A = arith.addf %get3A_5, %get3A_10 : vector<2000x128xf32>
    %get3A_11 = arith.constant 0 : index
    %get3A_12 = arith.constant 0 : index
    %get3A_13 = vector.load %arg4[%get3A_11, %get3A_12] : memref<128x128xf32, #tpu.memory_space<vmem>>, vector<128x128xf32>
    %dot_general3A = arith.constant dense<0.000000e+00> : vector<2000x128xf32>
    %dot_general3A_14 = tpu.matmul %add3A, %get3A_13, %dot_general3A {dimension_numbers = #tpu.dot_dimension_numbers<[1], [0], [0], [1], [0, 0, 1, 1], [], []>, transpose_lhs_hint = false} : vector<2000x128xf32>, vector<128x128xf32>, vector<2000x128xf32> -> vector<2000x128xf32>
    %get3A_15 = arith.constant 0 : index
    %get3A_16 = arith.constant 0 : index
    %get3A_17 = vector.load %arg2[%get3A_15, %get3A_16] : memref<2000x128xf32, #tpu.memory_space<vmem>>, vector<2000x128xf32>
    %get3A_18 = arith.constant 0 : index
    %get3A_19 = arith.constant 0 : index
    %get3A_20 = vector.load %arg5[%get3A_18, %get3A_19] : memref<128x128xf32, #tpu.memory_space<vmem>>, vector<128x128xf32>
    %dot_general3A_21 = arith.constant dense<0.000000e+00> : vector<2000x128xf32>
    %dot_general3A_22 = tpu.matmul %get3A_17, %get3A_20, %dot_general3A_21 {dimension_numbers = #tpu.dot_dimension_numbers<[1], [0], [0], [1], [0, 0, 1, 1], [], []>, transpose_lhs_hint = false} : vector<2000x128xf32>, vector<128x128xf32>, vector<2000x128xf32> -> vector<2000x128xf32>
    %add3A_23 = arith.addf %dot_general3A_14, %dot_general3A_22 : vector<2000x128xf32>
    %get3A_24 = arith.constant 0 : index
    %get3A_25 = arith.constant 0 : index
    %get3A_26 = vector.load %arg6[%get3A_24, %get3A_25] : memref<1x128xf32, #tpu.memory_space<vmem>>, vector<1x128xf32>
    %add3A_27 = vector.broadcast %get3A_26 : vector<1x128xf32> to vector<2000x128xf32>
    %add3A_28 = arith.addf %add3A_23, %add3A_27 : vector<2000x128xf32>
    %max3A = arith.constant 0.000000e+00 : f32
    %max3A_29 = vector.broadcast %max3A : f32 to vector<2000x128xf32>
    %max3A_30 = arith.maximumf %add3A_28, %max3A_29 : vector<2000x128xf32>
    %get3A_31 = arith.constant 0 : index
    %get3A_32 = arith.constant 0 : index
    %get3A_33 = arith.constant 0 : index
    %get3A_34 = vector.load %arg3[%get3A_31, %get3A_32, %get3A_33] : memref<1x1x2000xi32, #tpu.memory_space<vmem>>, vector<1x1x2000xi32>
    %get3A_35 = vector.shape_cast %get3A_34 : vector<1x1x2000xi32> to vector<2000xi32>
    %iota3A = tpu.iota {dimensions = array<i32: 0>} : vector<64x2000xi32>
    %broadcast_in_dim3A = vector.shape_cast %get3A_35 : vector<2000xi32> to vector<1x2000xi32>
    %eq3A_36 = vector.broadcast %broadcast_in_dim3A : vector<1x2000xi32> to vector<64x2000xi32>
    %eq3A_37 = arith.cmpi eq, %iota3A, %eq3A_36 : vector<64x2000xi32>
    %convert_element_type3A_38 = arith.extui %eq3A_37 : vector<64x2000xi1> to vector<64x2000xi32>
    %convert_element_type3A_39 = arith.sitofp %convert_element_type3A_38 : vector<64x2000xi32> to vector<64x2000xf32>
    %get3A_40 = arith.constant 0 : index
    %get3A_41 = arith.constant 0 : index
    %get3A_42 = vector.load %arg7[%get3A_40, %get3A_41] : memref<64x128xf32, #tpu.memory_space<vmem>>, vector<64x128xf32>
    %dot_general3A_43 = arith.constant dense<0.000000e+00> : vector<64x128xf32>
    %dot_general3A_44 = tpu.matmul %convert_element_type3A_39, %max3A_30, %dot_general3A_43 {dimension_numbers = #tpu.dot_dimension_numbers<[1], [0], [0], [1], [0, 0, 1, 1], [], []>, transpose_lhs_hint = false} : vector<64x2000xf32>, vector<2000x128xf32>, vector<64x128xf32> -> vector<64x128xf32>
    %add3A_45 = arith.addf %get3A_42, %dot_general3A_44 : vector<64x128xf32>
    %swap3A = arith.constant 0 : index
    %swap3A_46 = arith.constant 0 : index
    %swap3A_47 = vector.load %arg7[%swap3A, %swap3A_46] : memref<64x128xf32, #tpu.memory_space<vmem>>, vector<64x128xf32>
    tpu.vector_store %arg7[%swap3A, %swap3A_46], %add3A_45 {strides = array<i32>} : memref<64x128xf32, #tpu.memory_space<vmem>>, vector<64x128xf32>,
    return
  }
  func.func @transform_0(%arg0: i32) -> (i32, i32, i32) {
    %c0_i32 = arith.constant 0 : i32
    %c0_i32_0 = arith.constant 0 : i32
    %c0_i32_1 = arith.constant 0 : i32
    return %c0_i32, %arg0, %c0_i32_0 : i32, i32, i32
  }
  func.func @transform_1(%arg0: i32) -> (i32, i32) {
    %c0_i32 = arith.constant 0 : i32
    %c0_i32_0 = arith.constant 0 : i32
    return %arg0, %c0_i32 : i32, i32
  }
  func.func @transform_2(%arg0: i32) -> (i32, i32, i32) {
    %c0_i32 = arith.constant 0 : i32
    %c0_i32_0 = arith.constant 0 : i32
    %c0_i32_1 = arith.constant 0 : i32
    return %arg0, %c0_i32, %c0_i32_0 : i32, i32, i32
  }
  func.func @transform_3(%arg0: i32) -> (i32, i32) {
    %c0_i32 = arith.constant 0 : i32
    %c0_i32_0 = arith.constant 0 : i32
    %c0_i32_1 = arith.constant 0 : i32
    return %c0_i32, %c0_i32_0 : i32, i32
  }
  func.func @transform_4(%arg0: i32) -> (i32, i32) {
    %c0_i32 = arith.constant 0 : i32
    %c0_i32_0 = arith.constant 0 : i32
    %c0_i32_1 = arith.constant 0 : i32
    return %c0_i32, %c0_i32_0 : i32, i32
  }
  func.func @transform_5(%arg0: i32) -> (i32, i32) {
    %c0_i32 = arith.constant 0 : i32
    %c0_i32_0 = arith.constant 0 : i32
    %c0_i32_1 = arith.constant 0 : i32
    return %c0_i32, %c0_i32_0 : i32, i32
  }
  func.func @transform_6(%arg0: i32) -> (i32, i32) {
    %c0_i32 = arith.constant 0 : i32
    %c0_i32_0 = arith.constant 0 : i32
    %c0_i32_1 = arith.constant 0 : i32
    return %c0_i32, %c0_i32_0 : i32, i32
  }
}

</mosaic_0001>

<sc_bundles>
// kernel: kernel.4.cloned.1.call-start
scs
__scs_entry_jumppad:
0x0: {  	(pc) =	sbr.rel $0x88, $3  }
0x1: {  	(tag) =	ssettag $0x0;
	lr =	simm.s32 $0x1  }
0x2: {  	[smem:$0x3F9B] =	sst lr;
	_ =	strace $0xD0000000  }
0x3: {  	_ = 	snop  }
0x4: {  	_ = 	snop  }
0x5: {  	_ = 	snop  }
0x6: {  	_ = 	snop  }
0x7: {  	_ = 	snop  }
__scs_overlays_trampoline_lowered:
0x8: {  	[smem:$0x3FAA] =	sst s0  }
0x9: {  	[smem:$0x3FAB] =	sst s1  }
0xa: {  	[smem:$0x3FAC] =	sst s2  }
0xb: {  	[smem:$0x3FAD] =	sst s3  }
0xc: {  	[smem:$0x3FAE] =	sst s4  }
0xd: {  	[smem:$0x3FAF] =	sst s5  }
0xe: {  	[smem:$0x3FB0] =	sst s6  }
0xf: {  	[smem:$0x3FB1] =	sst s7  }
0x10: {  	[smem:$0x3FB2] =	sst s8  }
0x11: {  	[smem:$0x3FB3] =	sst s9;
	s0 =	simm.s32 @!p0 $0x0  }
0x12: {  	s1 =	sld [smem:$0x3F99];
	s0 =	simm.s32 @p0 $0x1  }
0x13: {  	[smem:$0x3FB4] =	sst s0;
	s0 =	simm.s32 @!p1 $0x0  }
0x14: {  	s2 =	sld [smem:$0x3F98];
	s0 =	simm.s32 @p1 $0x1  }
0x15: {  	[smem:$0x3FB5] =	sst s0;
	s0 =	simm.s32 @!p2 $0x0  }
0x16: {  	s3 =	sld [smem:$0x3FDB];
	s0 =	simm.s32 @p2 $0x1  }
0x17: {  	s4 =	simm.s32 $0x1BF5;
	[smem:$0x3FB7] =	sst s0  }
0x18: {  	s0 =	sld [smem:$0x3F9A];
	_ =	swait.ge [sflag:s4], $0x0  }
0x19: {  	s7 =	sld [smem:$0x3F9B]  }
0x1a: {  	s8 =	sadd.s32 $0xFFFFE003, lr  }
0x1b: {  	s9 =	sadd.s32 $0xFFFFFEF7, lr;
	s5 =	simm.s32 $0xFFFFFFFF;
	p2 =	slt.u32 s8, $0xFFFFF086  }
0x1c: {  	p1 =	slt.u32 s9, $0xF7A;
	s5 =	simm.s32 @!p2 $0x0  }
0x1d: {  	s5 =	simm.s32 @p1 $0x1;
	p0 =	seq.s32 s7, s2  }
0x1e: {  	s7 =	smul.u32 @!p0 $0xF7A, s2;
	p2 =	seq.s32 @!p0 s5, $0x0  }
0x1f: {  	s9 =	smul.u32 $0xF7A, s1;
	s8 =	simm.s32 @!p0 $0x1BF5;
	p2 =	por !p2, p0  }
0x20: {  	[sflag:s8] =	ssyncset.s32 @!p0 $0xFFFFF086;
	s6 =	sadd.s32 @!p0 s3, s7;
	s7 =	simm.s32 @!p0 $0x108  }
0x21: {  	s3 =	sadd.s32 s3, s9;
	s6 =	sadd.s32 @!p0 $0x88, s6;
	s7 =	simm.s32 @p2 $0x1082  }
0x22: {  	[simem:s7], [sflag:s8] =	dma.local @!p0 [hbm:s6], $0xF7A  }
0x23: {  	s9 =	sor.u32 $0xD0000000, s2;
	s6 =	simm.s32 $0x108;
	_ =	swait.ge @!p0 [sflag:s8], $0x0  }
0x24: {  	s3 =	sadd.s32 $0x88, s3;
	s6 =	simm.s32 @!p1 $0x1082;
	[sflag:s4] =	ssyncset.s32 $0xFFFFF086  }
0x25: {  	[simem:s6], [sflag:s4] =	dma.local [hbm:s3], $0xF7A  }
0x26: {  	[smem:$0x3F9B] =	sst s1;
	(tag) =	ssettag s2;
	_ =	strace s9  }
0x27: {  	s1 =	sld [smem:$0x3FAB]  }
0x28: {  	s2 =	sld [smem:$0x3FAC]  }
0x29: {  	s4 =	sld [smem:$0x3FAE]  }
0x2a: {  	p0 =	seq.s32 s5, $0x0;
	s5 =	sld [smem:$0x3FAF]  }
0x2b: {  	s6 =	sld [smem:$0x3FB0]  }
0x2c: {  	s7 =	sld [smem:$0x3FB1]  }
0x2d: {  	s3 =	simm.s32 $0x108;
	s8 =	sld [smem:$0x3FB2]  }
0x2e: {  	s3 =	simm.s32 @!p0 $0x1082;
	s9 =	sld [smem:$0x3FB3]  }
0x2f: {  	lr =	sadd.s32 s0, s3;
	s0 =	sld [smem:$0x3FAA]  }
0x30: {  	s3 =	sld [smem:$0x3FAD]  }
0x31: {  	[smem:$0x3FB6] =	sst s10  }
0x32: {  	s10 =	sld [smem:$0x3FB4];
	_ =	sdelay $0x3  }
0x33: {  	p0 =	seq.s32 s10, $0x1;
	s10 =	sld [smem:$0x3FB6];
	_ =	sdelay $0x3  }
0x34: {  	[smem:$0x3FB6] =	sst s10  }
0x35: {  	s10 =	sld [smem:$0x3FB5];
	_ =	sdelay $0x3  }
0x36: {  	p1 =	seq.s32 s10, $0x1;
	s10 =	sld [smem:$0x3FB6];
	_ =	sdelay $0x3  }
0x37: {  	[smem:$0x3FB6] =	sst s10  }
0x38: {  	s10 =	sld [smem:$0x3FB7]  }
0x39: {  	_ = 	snop;
	(pc) =	sbr.ind lr, $3  }
0x3a: {  	_ = 	snop  }
0x3b: {  	_ = 	snop  }
0x3c: {  	p2 =	seq.s32 s10, $0x1;
	s10 =	sld [smem:$0x3FB6]  }
0x3d: {  	_ =	shalt  }
0x3e: {  	_ =	shalt  }
0x3f: {  	_ =	shalt  }
0x40: {  	_ =	shalt  }
0x41: {  	_ =	shalt  }
0x42: {  	_ =	shalt  }
0x43: {  	_ =	shalt  }
0x44: {  	_ =	shalt  }
0x45: {  	_ =	shalt  }
0x46: {  	_ =	shalt  }
0x47: {  	_ =	shalt  }
0x48: {  	_ =	shalt  }
0x49: {  	_ =	shalt  }
0x4a: {  	_ =	shalt  }
0x4b: {  	_ =	shalt  }
0x4c: {  	_ =	shalt  }
0x4d: {  	_ =	shalt  }
0x4e: {  	_ =	shalt  }
0x4f: {  	_ =	shalt  }
0x50: {  	_ =	shalt  }
0x51: {  	_ =	shalt  }
0x52: {  	_ =	shalt  }
0x53: {  	_ =	shalt  }
0x54: {  	_ =	shalt  }
0x55: {  	_ =	shalt  }
0x56: {  	_ =	shalt  }
0x57: {  	_ =	shalt  }
0x58: {  	_ =	shalt  }
0x59: {  	_ =	shalt  }
0x5a: {  	_ =	shalt  }
0x5b: {  	_ =	shalt  }
0x5c: {  	_ =	shalt  }
0x5d: {  	_ =	shalt  }
0x5e: {  	_ =	shalt  }
0x5f: {  	_ =	shalt  }
0x60: {  	_ =	shalt  }
0x61: {  	_ =	shalt  }
0x62: {  	_ =	shalt  }
0x63: {  	_ =	shalt  }
0x64: {  	_ =	shalt  }
0x65: {  	_ =	shalt  }
0x66: {  	_ =	shalt  }
0x67: {  	_ =	shalt  }
0x68: {  	_ =	shalt  }
0x69: {  	_ =	shalt  }
0x6a: {  	_ =	shalt  }
0x6b: {  	_ =	shalt  }
0x6c: {  	_ =	shalt  }
0x6d: {  	_ =	shalt  }
0x6e: {  	_ =	shalt  }
0x6f: {  	_ =	shalt  }
0x70: {  	_ =	shalt  }
0x71: {  	_ =	shalt  }
0x72: {  	_ =	shalt  }
0x73: {  	_ =	shalt  }
0x74: {  	_ =	shalt  }
0x75: {  	_ =	shalt  }
0x76: {  	_ =	shalt  }
0x77: {  	_ =	shalt  }
0x78: {  	_ =	shalt  }
0x79: {  	_ =	shalt  }
0x7a: {  	_ =	shalt  }
0x7b: {  	_ =	shalt  }
0x7c: {  	_ =	shalt  }
0x7d: {  	_ =	shalt  }
0x7e: {  	_ =	shalt  }
0x7f: {  	_ =	shalt  }
0x80: {  	_ =	shalt  }
0x81: {  	_ =	shalt  }
0x82: {  	_ =	shalt  }
0x83: {  	_ =	shalt  }
0x84: {  	_ =	shalt  }
0x85: {  	_ =	shalt  }
0x86: {  	_ =	shalt  }
0x87: {  	_ =	shalt  }
.Lfunc_end0:
.L_simem_size_0:
called_computation_lowered:
.L_overlay_start_0:
0x88: {  	s2 =	sld [smem:$0x3FD9]  }
0x89: {  	s3 =	sld [smem:$0x3FFE];
	_ =	sdelay $0x1  }
0x8a: {  	s1 =	srdreg.scid  }
0x8b: {  	s0 =	sand.u32 $0x1, s1  }
0x8c: {  	s16 =	sshll.u32 s0, $0xA;
	s2 =	sadd.s32 s3, s2  }
0x8d: {  	s2 =	sadd.s32 s2, s16  }
0x8e: {  	[smem:$0x3FC2] =	sst s2  }
0x8f: {  	_ = 	snop  }
0x90: {  	(tm) =	ssettm $0x1  }
0x91: {  	s17 =	sld [smem:$0x3FFB];
	_ =	sdelay $0x3  }
0x92: {  	_ =	strace s17  }
0x93: {  	s2 =	sld [smem:$0x3FFC];
	_ =	sdelay $0x3  }
0x94: {  	_ =	strace s2  }
0x95: {  	s2 =	sld [smem:$0x3FFD];
	_ =	sdelay $0x3  }
0x96: {  	_ =	strace s2  }
0x97: {  	_ =	strace $0x8FFFFFFF  }
0x98: {  	s18 =	sld [smem:$0x3FDB];
	_ =	sdelay $0x1  }
0x99: {  	s19 =	simm.s32 $_scs_section_size  }
0x9a: {  	s4 =	simm.s32 $_size__tile_overlayer_lowered;
	s5 =	simm.s32 $_tile_overlayer_lowered  }
0x9b: {  	s22 =	simm.s32 $0x1BFF;
	s21 =	sshll.u32 s5, $0x1;
	s2 =	sadd.s32 s19, s18  }
0x9c: {  	s6 =	simm.s32 $0x0;
	s20 =	sshll.u32 s4, $0x1;
	s4 =	sadd.s32 s21, s2  }
0x9d: {  	[timem:s6], [sflag:s22] =	dma.local [hbm:s4], s20  }
0x9e: {  	_ =	swait.ge [sflag:s22], s20  }
0x9f: {  	s3 =	ssub.s32 $0x0, s20;
	[sflag:s22] =	ssyncset.done $0x0  }
0xa0: {  	[sflag:s22] =	ssyncadd.s32 s3;
	_ =	sdelay $0x1  }
0xa1: {  	s23 =	simm.s32 $0x1B8B  }
0xa2: {  	_ =	swait.ge [sflag:s23], $0x1  }
0xa3: {  	[sflag:s23] =	ssyncset.done $0x0  }
0xa4: {  	s25 =	simm.s32 $0x1B8E;
	s24 =	sld [smem:$0x3FFE];
	[sflag:s23] =	ssyncadd.s32 $0xFFFFFFFF  }
0xa5: {  	s26 =	simm.s32 $execute0_lowered;
	[smem:$0x3FD2] =	sst s25  }
0xa6: {  	s4 =	sshll.u32 s26, $0x1;
	_ =	strace $0x80000046;
	[dreg:$0x1] =	wrdreg $0xFFFFFFFF  }
0xa7: {  	s28 =	simm.s32 $_size_execute0_lowered;
	s2 =	sadd.s32 s2, s4;
	[dreg:$0x0] =	wrdreg $0x0  }
0xa8: {  	s4 =	sshll.u32 s28, $0x1;
	[dreg:$0x2] =	wrdreg s2  }
0xa9: {  	[dreg:$0x3] =	wrdreg s4  }
0xaa: {  	[dreg:$0x4] =	wrdreg $0xC0  }
0xab: {  	_ =	task [dreg:s6], $0x5FFFF  }
0xac: {  	[dreg:$0x1] =	wrdreg $0xFFFFFFFF  }
0xad: {  	[dreg:$0x0] =	wrdreg $0x60  }
0xae: {  	[dreg:$0x2] =	wrdreg s24  }
0xaf: {  	[dreg:$0x3] =	wrdreg $0x0  }
0xb0: {  	[dreg:$0x4] =	wrdreg $0x9  }
0xb1: {  	_ =	task.clear_ibuf [dreg:s6], $0x5FFFF;
	_ =	strace $0x90000046  }
0xb2: {  	s29 =	simm.s32 $0x9;
	_ =	strace $0x8000004B  }
0xb3: {  	_ =	swait.ge [sflag:s29], $0x1  }
0xb4: {  	[sflag:s29] =	ssyncadd.s32 $0xFFFFFFFF  }
0xb5: {  	_ =	strace $0x9000004B  }
0xb6: {  	_ =	sfence  }
0xb7: {  	s30 =	sld [smem:$0x0];
	_ =	sdelay $0x2  }
0xb8: {  	s31 =	sshll.u32 s1, $0xD;
	s1 =	sshrl.u32 s1, $0x2  }
0xb9: {  	s3 =	sand.u32 $0x4000, s31;
	s1 =	sadd.s32 s1, s30  }
0xba: {  	s0 =	sor.u32 s3, s0;
	s1 =	sshll.u32 s1, $0x11  }
0xbb: {  	s0 =	sor.u32 s1, s0  }
0xbc: {  	s0 =	sadd.s32 $0x8F2B, s0  }
0xbd: {  	[sflag:s0] =	ssyncadd.remote.s32 $0x1  }
0xbe: {  	_ =	sfence.sel $0xFFFF  }
0xbf: {  	[dreg:$0x0] =	wrdreg $0xFFFFFFFF;
	(pc) =	sbr.abs _section_cstart, $3  }
0xc0: {  	[dreg:$0x1] =	wrdreg $0xFFFFFFFF  }
0xc1: {  	_ =	task.clear_ibuf [dreg:s6], $0x2FFFF;
	_ =	strace $0x9FFFFFFF  }
0xc2: {  	(tm) =	ssettm $0x7FFFFFFF  }
0xc3: {  	_ =	shalt  }
tec
execute0_lowered:
.L_overlay_start_1:
0x0: {  	(tag) =	ssettag $0x1  }
0x1: {  	s0 =	rddreg [dreg:$0x0]  }
0x2: {  	s2 =	rddreg [dreg:$0x1];
	s3 =	simm.s32 $0x0;
	s1 =	srdreg.scid  }
0x3: {  	s15 =	stileid.u32;
	s28 =	simm.s32 $0x1;
	s29 =	simm.s32 $0x13980  }
0x4: {  	s30 =	simm.s32 $0x1BC80;
	s31 =	simm.s32 $0x13A80;
	s4 =	smul.u32 $0x26, s15  }
0x5: {  	s1 =	sand.u32 $0x1, s1;
	s5 =	sshll.u32 s15, $0x1;
	s7 =	smul.u32 $0x5, s15  }
0x6: {  	[smem:$0x7FF] =	sst s3;
	s8 =	smul.u32 $0x50000, s15;
	s9 =	sadd.s32 $0x3C000, s0  }
0x7: {  	s14 =	sadd.s32 $0x138000, s2;
	s22 =	smul.u32 $0x2800, s15;
	p0 =	seq.s32 s1, $0x0  }
0x8: {  	s5 =	sor.u32 $0x260, s5;
	s6 =	smul.u32 $0x27100, s1;
	_ =	strace $0x80000047  }
0x9: {  	[dreg:$0x3] =	wrdreg s9;
	s1 =	ssub.s32 $0x2, s1;
	s5 =	smov.u32 @p0 s4  }
0xa: {  	s4 =	sadd.s32 $0x14E00, s0;
	s17 =	sshrl.u32 s1, $0x1;
	s8 =	sshrl.u32 s8, $0x2  }
0xb: {  	s18 =	sadd.s32 $0x1, s7;
	s20 =	sadd.s32 $0x2, s7;
	s21 =	sadd.s32 $0x3, s7  }
0xc: {  	s7 =	sadd.s32 $0x4, s7;
	s5 =	sshll.u32 s5, $0x7;
	s1 =	ssub.s32 s1, s17  }
0xd: {  	s12 =	sadd.s32 s8, s2;
	s19 =	sshll.u32 s18, $0xE;
	s10 =	sshll.u32 s20, $0xE  }
0xe: {  	s11 =	sshll.u32 s21, $0xE;
	[dreg:$0x4] =	wrdreg s7;
	s7 =	sshll.u32 s7, $0xE  }
0xf: {  	s23 =	sshll.u32 s18, $0xB;
	s8 =	sshll.u32 s21, $0xB;
	s17 =	simm.s32 $0x13C80  }
0x10: {  	s18 =	simm.s32 $0x4;
	s21 =	simm.s32 $0x13900;
	s5 =	sadd.s32 s5, s0  }
0x11: {  	s0 =	sadd.s32 s6, s0;
	s13 =	sadd.s32 s19, s2;
	s7 =	sadd.s32 s7, s2  }
0x12: {  	s10 =	sadd.s32 s10, s2;
	s1 =	smax.u32 s1, $0x1;
	[dreg:$0x5] =	wrdreg s7  }
0x13: {  	s16 =	sadd.s32 s11, s2;
	s6 =	sshll.u32 s20, $0xB;
	[dreg:$0x9] =	wrdreg s1  }
0x14: {  	s19 =	simm.s32 $0x13880;
	s24 =	sadd.s32 $0xE00, s5;
	[dreg:$0x6] =	wrdreg s16  }
0x15: {  	s7 =	simm.s32 $0x26;
	s11 =	sadd.s32 $0x3C800, s0;
	[dreg:$0xa] =	wrdreg s24  }
0x16: {  	s20 =	simm.s32 $0x80;
	s7 =	simm.s32 @!p0 $0x2;
	[dreg:$0x8] =	wrdreg s11  }
0x17: {  	s1 =	simm.s32 $0x13A00;
	s0 =	sadd.s32 s22, s11;
	[dreg:$0x7] =	wrdreg s7  }
0x18: {  	s5 =	simm.s32 $0x13B00;
	s25 =	sadd.s32 s23, s11;
	[dreg:$0xb] =	wrdreg s0  }
0x19: {  	p0 =	seq.s32 s15, $0xF;
	s26 =	sadd.s32 s6, s11;
	[dreg:$0xc] =	wrdreg s25  }
0x1a: {  	s15 =	simm.s32 $0x13C00;
	s22 =	simm.s32 $0x0;
	[dreg:$0xd] =	wrdreg s26  }
0x1b: {  	s0 =	sadd.s32 @!p0 s8, s11;
	s26 =	simm.s32 $0x17C80;
	s11 =	simm.s32 $0x3  }
0x1c: {  	s8 =	simm.s32 $0x13B80;
	[dreg:$0xe] =	wrdreg s0;
	s0 =	simm.s32 $0x2  }
.LBB2_1:
0x1d: {  	_ =	strace $0x80000048  }
0x1e: {  	s6 =	rddreg [dreg:$0x3]  }
0x1f: {  	[tilespmem:s17], [sflag:$0x4] =	stream.linear.gather [hbm4b:s6+s3], $0x4000, $0x200038;
	[tilespmem:$0x1FC80] =	vst v63  }
0x20: {  	_ =	swait.ge [sflag:s18], $0x4000  }
0x21: {  	[sflag:s18] =	ssyncset.done $0x0  }
0x22: {  	[sflag:s18] =	ssyncadd.s32 $0xFFFFC000  }
0x23: {  	[spmem:s12] =	stream.linear.scatter [tilespmem:s17], [sflag:$0x4], $0x4000, $0x200038;
	[tilespmem:$0x1FC80] =	vst v63  }
0x24: {  	_ =	swait.ge [sflag:s18], $0x4000  }
0x25: {  	[sflag:s18] =	ssyncset.done $0x0  }
0x26: {  	[sflag:s18] =	ssyncadd.s32 $0xFFFFC000  }
0x27: {  	[spmem:s13] =	stream.linear.scatter [tilespmem:s17], [sflag:$0x4], $0x4000, $0x200038;
	[tilespmem:$0x1FC80] =	vst v63  }
0x28: {  	_ =	swait.ge [sflag:s18], $0x4000  }
0x29: {  	[sflag:s18] =	ssyncset.done $0x0  }
0x2a: {  	[sflag:s18] =	ssyncadd.s32 $0xFFFFC000  }
0x2b: {  	[spmem:s10] =	stream.linear.scatter [tilespmem:s17], [sflag:$0x4], $0x4000, $0x200038;
	[tilespmem:$0x1FC80] =	vst v63  }
0x2c: {  	_ =	swait.ge [sflag:s18], $0x4000  }
0x2d: {  	[sflag:s18] =	ssyncset.done $0x0  }
0x2e: {  	s25 =	simm.s32 @p0 $0x4;
	s6 =	simm.s32 @p0 $0x13C80;
	[sflag:s18] =	ssyncadd.s32 $0xFFFFC000  }
0x2f: {  	[spmem:s14] =	stream.linear.scatter @p0 [tilespmem:s6], [sflag:$0x4], $0x800, $0x200038;
	[tilespmem:$0x1FC80] =	vst v63  }
0x30: {  	_ =	swait.ge @p0 [sflag:s25], $0x800  }
0x31: {  	[sflag:s25] =	ssyncset.done @p0 $0x0  }
0x32: {  	s7 =	simm.s32 @!p0 $0x13C80;
	s23 =	simm.s32 @!p0 $0x4;
	[sflag:s25] =	ssyncadd.s32 @p0 $0xFFFFF800  }
0x33: {  	[spmem:s16] =	stream.linear.scatter @!p0 [tilespmem:s7], [sflag:$0x4], $0x4000, $0x200038;
	[tilespmem:$0x1FC80] =	vst v63  }
0x34: {  	_ =	swait.ge @!p0 [sflag:s23], $0x4000  }
0x35: {  	[sflag:s23] =	ssyncset.done @!p0 $0x0  }
0x36: {  	s6 =	rddreg [dreg:$0x5];
	[sflag:s23] =	ssyncadd.s32 @!p0 $0xFFFFC000  }
0x37: {  	[spmem:s6] =	stream.linear.scatter @!p0 [tilespmem:s7], [sflag:$0x4], $0x4000, $0x200038;
	[tilespmem:$0x1FC80] =	vst v63  }
0x38: {  	_ =	swait.ge @!p0 [sflag:s23], $0x4000  }
0x39: {  	[sflag:s23] =	ssyncset.done @!p0 $0x0  }
0x3a: {  	[sflag:s23] =	ssyncadd.s32 @!p0 $0xFFFFC000  }
0x3b: {  	[bflag:$0x0] =	sbarrier.arrive $0xFFFF  }
0x3c: {  	_ =	strace $0x90000048  }
0x3d: {  	_ =	strace $0x80000049  }
0x3e: {  	s16 =	rddreg [dreg:$0xa]  }
0x3f: {  	[tilespmem:s19], [sflag:$0x4] =	stream.linear.gather [hbm4b:s16+s3], $0x400, $0x200038;
	[tilespmem:$0x1FC80] =	vst v63  }
0x40: {  	_ =	swait.ge [sflag:s18], $0x400  }
0x41: {  	[sflag:s18] =	ssyncset.done $0x0  }
0x42: {  	[sflag:s18] =	ssyncadd.s32 $0xFFFFFC00  }
0x43: {  	[tilespmem:s17], [sflag:$0x1] =	stream.indirect.gather [hbm4b:s4+s20], $0x80, s19, s20, $0x2000b8;
	[tilespmem:$0x1FC80] =	vst v63  }
0x44: {  	_ = 	snop  }
0x45: {  	[tilespmem:s26], [sflag:$0x2] =	stream.indirect.gather [hbm4b:s4+s20], $0x80, s21, s20, $0x2000b8;
	[tilespmem:$0x1FC80] =	vst v63  }
0x46: {  	_ =	swait.ge [sflag:s28], $0x4000  }
0x47: {  	[sflag:s28] =	ssyncset.done $0x0  }
0x48: {  	[sflag:s28] =	ssyncadd.s32 $0xFFFFC000  }
0x49: {  	[tilespmem:s30], [sflag:$0x3] =	stream.indirect.gather [hbm4b:s4+s20], $0x80, s29, s20, $0x2000b8;
	[tilespmem:$0x1FC80] =	vst v63  }
0x4a: {  	_ = 	snop  }
0x4b: {  	[spmem:s2] =	stream.indirect.scatter.add.f32 [tilespmem:s17], [sflag:$0x4], $0x80, s31, s20, $0x2000b8;
	[tilespmem:$0x1FC80] =	vst v63  }
0x4c: {  	_ =	swait.ge [sflag:s18], $0x4000  }
0x4d: {  	[sflag:s18] =	ssyncset.done $0x0  }
0x4e: {  	[sflag:s18] =	ssyncadd.s32 $0xFFFFC000  }
0x4f: {  	_ =	swait.ge [sflag:s0], $0x4000  }
0x50: {  	[sflag:s0] =	ssyncset.done $0x0  }
0x51: {  	[sflag:s0] =	ssyncadd.s32 $0xFFFFC000  }
0x52: {  	[tilespmem:s17], [sflag:$0x1] =	stream.indirect.gather [hbm4b:s4+s20], $0x80, s1, s20, $0x2000b8;
	[tilespmem:$0x1FC80] =	vst v63  }
0x53: {  	_ = 	snop  }
0x54: {  	[spmem:s2] =	stream.indirect.scatter.add.f32 [tilespmem:s26], [sflag:$0x4], $0x80, s5, s20, $0x2000b8;
	[tilespmem:$0x1FC80] =	vst v63  }
0x55: {  	_ =	swait.ge [sflag:s18], $0x4000  }
0x56: {  	[sflag:s18] =	ssyncset.done $0x0  }
0x57: {  	[sflag:s18] =	ssyncadd.s32 $0xFFFFC000  }
0x58: {  	_ =	swait.ge [sflag:s11], $0x4000  }
0x59: {  	[sflag:s11] =	ssyncset.done $0x0  }
0x5a: {  	[sflag:s11] =	ssyncadd.s32 $0xFFFFC000  }
0x5b: {  	[spmem:s2] =	stream.indirect.scatter.add.f32 [tilespmem:s30], [sflag:$0x4], $0x80, s8, s20, $0x2000b8;
	[tilespmem:$0x1FC80] =	vst v63  }
0x5c: {  	_ =	swait.ge [sflag:s18], $0x4000  }
0x5d: {  	[sflag:s18] =	ssyncset.done $0x0  }
0x5e: {  	[sflag:s18] =	ssyncadd.s32 $0xFFFFC000  }
0x5f: {  	_ =	swait.ge [sflag:s28], $0x4000  }
0x60: {  	s24 =	rddreg [dreg:$0x7]  }
0x61: {  	p1 =	sne.s32 s24, $0x1  }
.Ltmp0:
0x62: {  	[sflag:s28] =	ssyncset.done $0x0;
	(pc) =	sbr.rel @!p1 .LBB2_3-.Ltmp0, $4  }
0x63: {  	[sflag:s28] =	ssyncadd.s32 $0xFFFFC000  }
0x64: {  	[spmem:s2] =	stream.indirect.scatter.add.f32 [tilespmem:s17], [sflag:$0x4], $0x80, s15, s20, $0x2000b8;
	[tilespmem:$0x1FC80] =	vst v63  }
0x65: {  	s6 =	rddreg [dreg:$0x4];
	_ =	swait.ge [sflag:s18], $0x4000  }
0x66: {  	s6 =	simm.s32 @p0 $0x4F;
	s7 =	sadd.s32 $0xFFFFFFFF, s24;
	[sflag:s18] =	ssyncset.done $0x0  }
.LBB2_2:
0x67: {  	p1 =	sne.s32 s7, $0x1;
	[sflag:s18] =	ssyncadd.s32 $0xFFFFC000;
	s16 =	sadd.s32 $0x80, s16  }
0x68: {  	[tilespmem:s19], [sflag:$0x4] =	stream.linear.gather [hbm4b:s16+s3], $0x400, $0x200038;
	[tilespmem:$0x1FC80] =	vst v63  }
0x69: {  	s7 =	sadd.s32 $0xFFFFFFFF, s7;
	_ =	swait.ge [sflag:s18], $0x400  }
0x6a: {  	[sflag:s18] =	ssyncset.done $0x0  }
0x6b: {  	[sflag:s18] =	ssyncadd.s32 $0xFFFFFC00  }
0x6c: {  	[tilespmem:s17], [sflag:$0x1] =	stream.indirect.gather [hbm4b:s4+s20], $0x80, s19, s20, $0x2000b8;
	[tilespmem:$0x1FC80] =	vst v63  }
0x6d: {  	_ = 	snop  }
0x6e: {  	[tilespmem:s26], [sflag:$0x2] =	stream.indirect.gather [hbm4b:s4+s20], $0x80, s21, s20, $0x2000b8;
	[tilespmem:$0x1FC80] =	vst v63  }
0x6f: {  	_ =	swait.ge [sflag:s28], $0x4000  }
0x70: {  	[sflag:s28] =	ssyncset.done $0x0  }
0x71: {  	[sflag:s28] =	ssyncadd.s32 $0xFFFFC000  }
0x72: {  	[tilespmem:s30], [sflag:$0x3] =	stream.indirect.gather [hbm4b:s4+s20], $0x80, s29, s20, $0x2000b8;
	[tilespmem:$0x1FC80] =	vst v63  }
0x73: {  	_ = 	snop  }
0x74: {  	[spmem:s2] =	stream.indirect.scatter.add.f32 [tilespmem:s17], [sflag:$0x4], $0x80, s31, s20, $0x2000b8;
	[tilespmem:$0x1FC80] =	vst v63  }
0x75: {  	_ =	swait.ge [sflag:s18], $0x4000  }
0x76: {  	[sflag:s18] =	ssyncset.done $0x0  }
0x77: {  	[sflag:s18] =	ssyncadd.s32 $0xFFFFC000  }
0x78: {  	_ =	swait.ge [sflag:s0], $0x4000  }
0x79: {  	[sflag:s0] =	ssyncset.done $0x0  }
0x7a: {  	[sflag:s0] =	ssyncadd.s32 $0xFFFFC000  }
0x7b: {  	[tilespmem:s17], [sflag:$0x1] =	stream.indirect.gather [hbm4b:s4+s20], $0x80, s1, s20, $0x2000b8;
	[tilespmem:$0x1FC80] =	vst v63  }
0x7c: {  	_ = 	snop  }
0x7d: {  	[spmem:s2] =	stream.indirect.scatter.add.f32 [tilespmem:s26], [sflag:$0x4], $0x80, s5, s20, $0x2000b8;
	[tilespmem:$0x1FC80] =	vst v63  }
0x7e: {  	_ =	swait.ge [sflag:s18], $0x4000  }
0x7f: {  	[sflag:s18] =	ssyncset.done $0x0  }
0x80: {  	[sflag:s18] =	ssyncadd.s32 $0xFFFFC000  }
0x81: {  	_ =	swait.ge [sflag:s11], $0x4000  }
0x82: {  	[sflag:s11] =	ssyncset.done $0x0  }
0x83: {  	[sflag:s11] =	ssyncadd.s32 $0xFFFFC000  }
0x84: {  	[spmem:s2] =	stream.indirect.scatter.add.f32 [tilespmem:s30], [sflag:$0x4], $0x80, s8, s20, $0x2000b8;
	[tilespmem:$0x1FC80] =	vst v63  }
0x85: {  	_ =	swait.ge [sflag:s18], $0x4000  }
0x86: {  	[sflag:s18] =	ssyncset.done $0x0  }
0x87: {  	[sflag:s18] =	ssyncadd.s32 $0xFFFFC000  }
0x88: {  	_ =	swait.ge [sflag:s28], $0x4000  }
.Ltmp1:
0x89: {  	[sflag:s28] =	ssyncset.done $0x0;
	(pc) =	sbr.rel @p1 .LBB2_2-.Ltmp1, $4  }
0x8a: {  	[sflag:s28] =	ssyncadd.s32 $0xFFFFC000  }
0x8b: {  	[spmem:s2] =	stream.indirect.scatter.add.f32 [tilespmem:s17], [sflag:$0x4], $0x80, s15, s20, $0x2000b8;
	[tilespmem:$0x1FC80] =	vst v63  }
0x8c: {  	_ =	swait.ge [sflag:s18], $0x4000  }
0x8d: {  	[sflag:s18] =	ssyncset.done $0x0  }
.LBB2_3:
0x8e: {  	[sflag:s18] =	ssyncadd.s32 $0xFFFFC000  }
0x8f: {  	[bflag:$0x0] =	sbarrier.arrive $0xFFFF  }
0x90: {  	_ =	strace $0x90000049  }
0x91: {  	_ =	strace $0x8000004A  }
0x92: {  	[tilespmem:s17], [sflag:$0x4] =	stream.linear.gather [spmem:s12], $0x4000, $0x200038;
	[tilespmem:$0x1FC80] =	vst v63  }
0x93: {  	_ =	swait.ge [sflag:s18], $0x4000  }
0x94: {  	[sflag:s18] =	ssyncset.done $0x0  }
0x95: {  	s7 =	rddreg [dreg:$0xb];
	[sflag:s18] =	ssyncadd.s32 $0xFFFFC000  }
0x96: {  	[hbm4b:s7+s3] =	stream.linear.scatter [tilespmem:s17], [sflag:$0x4], $0x4000, $0x200038;
	[tilespmem:$0x1FC80] =	vst v63  }
0x97: {  	_ =	swait.ge [sflag:s18], $0x4000  }
0x98: {  	[sflag:s18] =	ssyncset.done $0x0  }
0x99: {  	[sflag:s18] =	ssyncadd.s32 $0xFFFFC000  }
0x9a: {  	[tilespmem:s17], [sflag:$0x4] =	stream.linear.gather [spmem:s13], $0x4000, $0x200038;
	[tilespmem:$0x1FC80] =	vst v63  }
0x9b: {  	_ =	swait.ge [sflag:s18], $0x4000  }
0x9c: {  	[sflag:s18] =	ssyncset.done $0x0  }
0x9d: {  	s16 =	rddreg [dreg:$0xc];
	[sflag:s18] =	ssyncadd.s32 $0xFFFFC000  }
0x9e: {  	[hbm4b:s16+s3] =	stream.linear.scatter [tilespmem:s17], [sflag:$0x4], $0x4000, $0x200038;
	[tilespmem:$0x1FC80] =	vst v63  }
0x9f: {  	_ =	swait.ge [sflag:s18], $0x4000  }
0xa0: {  	[sflag:s18] =	ssyncset.done $0x0  }
0xa1: {  	[sflag:s18] =	ssyncadd.s32 $0xFFFFC000  }
0xa2: {  	[tilespmem:s17], [sflag:$0x4] =	stream.linear.gather [spmem:s10], $0x4000, $0x200038;
	[tilespmem:$0x1FC80] =	vst v63  }
0xa3: {  	_ =	swait.ge [sflag:s18], $0x4000  }
0xa4: {  	[sflag:s18] =	ssyncset.done $0x0  }
0xa5: {  	s24 =	rddreg [dreg:$0xd];
	[sflag:s18] =	ssyncadd.s32 $0xFFFFC000  }
0xa6: {  	[hbm4b:s24+s3] =	stream.linear.scatter [tilespmem:s17], [sflag:$0x4], $0x4000, $0x200038;
	[tilespmem:$0x1FC80] =	vst v63  }
0xa7: {  	_ =	swait.ge [sflag:s18], $0x4000  }
0xa8: {  	[sflag:s18] =	ssyncset.done $0x0  }
0xa9: {  	s7 =	simm.s32 @p0 $0x17C80;
	[sflag:s18] =	ssyncadd.s32 $0xFFFFC000  }
0xaa: {  	[tilespmem:s7], [sflag:$0x4] =	stream.linear.gather @p0 [spmem:s14], $0x800, $0x200038;
	[tilespmem:$0x1FC80] =	vst v63  }
0xab: {  	_ =	swait.ge @p0 [sflag:s25], $0x800  }
0xac: {  	s9 =	smov.u32 s10;
	[sflag:s25] =	ssyncset.done @p0 $0x0;
	s24 =	rddreg [dreg:$0x8]  }
0xad: {  	s10 =	simm.s32 @p0 $0x0;
	[sflag:s25] =	ssyncadd.s32 @p0 $0xFFFFF800;
	s16 =	sadd.s32 @p0 $0x27000, s24  }
0xae: {  	[hbm4b:s16+s10] =	stream.linear.scatter @p0 [tilespmem:s7], [sflag:$0x4], $0x800, $0x200038;
	[tilespmem:$0x1FC80] =	vst v63  }
0xaf: {  	_ =	swait.ge @p0 [sflag:s25], $0x800  }
0xb0: {  	[sflag:s25] =	ssyncset.done @p0 $0x0  }
0xb1: {  	s16 =	rddreg [dreg:$0x6];
	[sflag:s25] =	ssyncadd.s32 @p0 $0xFFFFF800;
	s25 =	simm.s32 @!p0 $0x13C80  }
0xb2: {  	[tilespmem:s25], [sflag:$0x4] =	stream.linear.gather @!p0 [spmem:s16], $0x4000, $0x200038;
	[tilespmem:$0x1FC80] =	vst v63  }
0xb3: {  	_ =	swait.ge @!p0 [sflag:s23], $0x4000  }
0xb4: {  	[sflag:s23] =	ssyncset.done @!p0 $0x0  }
0xb5: {  	s7 =	simm.s32 @!p0 $0x0;
	s10 =	rddreg [dreg:$0xe];
	[sflag:s23] =	ssyncadd.s32 @!p0 $0xFFFFC000  }
0xb6: {  	[hbm4b:s10+s7] =	stream.linear.scatter @!p0 [tilespmem:s25], [sflag:$0x4], $0x4000, $0x200038;
	[tilespmem:$0x1FC80] =	vst v63  }
0xb7: {  	_ =	swait.ge @!p0 [sflag:s23], $0x4000  }
0xb8: {  	s10 =	sshll.u32 @!p0 s6, $0xE;
	[sflag:s23] =	ssyncset.done @!p0 $0x0  }
0xb9: {  	s10 =	sadd.s32 @!p0 s10, s2;
	[sflag:s23] =	ssyncadd.s32 @!p0 $0xFFFFC000  }
0xba: {  	[tilespmem:s25], [sflag:$0x4] =	stream.linear.gather @!p0 [spmem:s10], $0x4000, $0x200038;
	[tilespmem:$0x1FC80] =	vst v63  }
0xbb: {  	_ =	swait.ge @!p0 [sflag:s23], $0x4000  }
0xbc: {  	s6 =	sshll.u32 @!p0 s6, $0xB;
	[sflag:s23] =	ssyncset.done @!p0 $0x0  }
0xbd: {  	s6 =	sadd.s32 @!p0 s6, s24;
	[sflag:s23] =	ssyncadd.s32 @!p0 $0xFFFFC000  }
0xbe: {  	[hbm4b:s6+s7] =	stream.linear.scatter @!p0 [tilespmem:s25], [sflag:$0x4], $0x4000, $0x200038;
	[tilespmem:$0x1FC80] =	vst v63  }
0xbf: {  	_ =	swait.ge @!p0 [sflag:s23], $0x4000  }
0xc0: {  	s22 =	sadd.s32 $0x1, s22;
	s25 =	rddreg [dreg:$0x9]  }
0xc1: {  	p1 =	sne.s32 s22, s25  }
.Ltmp2:
0xc2: {  	_ = 	snop;
	(pc) =	sbr.rel @p1 .LBB2_1-.Ltmp2, $4  }
0xc3: {  	_ = 	snop  }
0xc4: {  	[sflag:s23] =	ssyncset.done @!p0 $0x0  }
0xc5: {  	[sflag:s23] =	ssyncadd.s32 @!p0 $0xFFFFC000  }
0xc6: {  	s10 =	smov.u32 s9;
	_ =	strace $0x9000004A  }
0xc7: {  	_ =	sfence.sel $0x180000  }
0xc8: {  	[bflag:$0x0] =	sbarrier.arrive $0xFFFF  }
0xc9: {  	_ =	strace $0x90000047  }
0xca: {  	s0 =	stileid.u32;
	[bflag:$0x2] =	sbarrier.arrive $0xFFFF  }
0xcb: {  	p0 =	sne.s32 s0, $0x0;
	s0 =	rddreg [dreg:$0x2]  }
0xcc: {  	s0 =	sadd.s32 @!p0 $0x100000, s0  }
0xcd: {  	[sflag:s0] =	ssyncadd.tile.s32 @!p0 $0x1;
	_ =	shalt  }
.Lfunc_end2:
_tile_overlayer_lowered:
.L_overlay_start_2:
0xce: {  	(tag) =	ssettag $0x2  }
0xcf: {  	s0 =	rddreg [dreg:$0x0];
	s2 =	stileid.u32  }
0xd0: {  	s1 =	rddreg [dreg:$0x1];
	p0 =	sne.s32 s2, $0x0  }
0xd1: {  	s3 =	rddreg [dreg:$0x2];
	[bflag:$0x3] =	sbarrier.arrive $0xFFFF;
	s2 =	simm.s32 @!p0 $0x1C04  }
0xd2: {  	[timem:s3], [sflag:s2] =	dma.local @!p0 [hbm:s0], s1  }
0xd3: {  	s0 =	simm.s32 @!p0 $0x4  }
0xd4: {  	_ =	swait.ge @!p0 [sflag:s0], s1  }
0xd5: {  	s1 =	ssub.s32 @!p0 $0x0, s1;
	[sflag:s0] =	ssyncset.done @!p0 $0x0  }
0xd6: {  	[sflag:s0] =	ssyncadd.s32 @!p0 s1  }
0xd7: {  	[bflag:$0x3] =	sbarrier.arrive $0xFFFF  }
0xd8: {  	_ =	shalt  }

</sc_bundles>
